<compile_context>
chip_gen: v7x
topology: tpu7x:2x2x1
jax: 0.10.2.dev20260603
libtpu: 0.0.44.dev20260713+nightly
codegen_flags: <defaults>
</compile_context>

<pallas_src>
import functools

import jax
import jax.numpy as jnp
from jax import lax
from jax.experimental import pallas as pl
from jax.experimental.pallas import tpu as pltpu
from jax.experimental.pallas import tpu_sc as plsc

_NUM_CORES = 2
_NUM_SUBCORES = 16
_NW = _NUM_CORES * _NUM_SUBCORES
_ILIM = 128
_CHUNK = 128
_NBUF = 5
_LOOK = 2


@jax.jit
def _embed_flat(idx, table):
    total = idx.shape[0]
    _, d = table.shape
    b_per_w = total // _NW
    assert total % _NW == 0 and b_per_w % _CHUNK == 0
    nchunk = b_per_w // _CHUNK
    assert (nchunk - _NBUF) % _NBUF == 0 and nchunk >= 2 * _NBUF

    mesh = plsc.VectorSubcoreMesh(core_axis_name="c", subcore_axis_name="s")

    @functools.partial(
        pl.kernel,
        mesh=mesh,
        out_type=jax.ShapeDtypeStruct((total, d), jnp.float32),
        scratch_types=[
            pltpu.VMEM((b_per_w,), jnp.int32),
            pltpu.VMEM((_NBUF, _CHUNK, d), jnp.float32),
            pltpu.SemaphoreType.DMA((_NBUF,)),
            pltpu.SemaphoreType.DMA((_NBUF,)),
        ],
    )
    def k(idx_hbm, table_hbm, out_hbm, idx_v, rows_v, sem_g, sem_w):
        wid = lax.axis_index("s") * _NUM_CORES + lax.axis_index("c")
        base = wid * b_per_w
        pltpu.sync_copy(idx_hbm.at[pl.ds(base, b_per_w)], idx_v)

        def g_start(g, b):
            for o in range(0, _CHUNK, _ILIM):
                pltpu.async_copy(
                    table_hbm.at[idx_v.at[pl.ds(g * _CHUNK + o, _ILIM)]],
                    rows_v.at[b, pl.ds(o, _ILIM)],
                    sem_g.at[b],
                )

        def g_wait(g, b):
            for o in range(0, _CHUNK, _ILIM):
                pltpu.make_async_copy(
                    table_hbm.at[idx_v.at[pl.ds(g * _CHUNK + o, _ILIM)]],
                    rows_v.at[b, pl.ds(o, _ILIM)],
                    sem_g.at[b],
                ).wait()

        def w_start(g, b):
            pltpu.async_copy(
                rows_v.at[b],
                out_hbm.at[pl.ds(base + g * _CHUNK, _CHUNK)],
                sem_w.at[b],
            )

        def w_wait(b):
            pltpu.make_async_copy(
                rows_v.at[b],
                out_hbm.at[pl.ds(base, _CHUNK)],
                sem_w.at[b],
            ).wait()

        for g in range(_LOOK):
            g_start(g, g % _NBUF)
        for g in range(_NBUF - _LOOK):
            g_start(g + _LOOK, (g + _LOOK) % _NBUF)
            g_wait(g, g % _NBUF)
            w_start(g, g % _NBUF)

        g0 = _NBUF - _LOOK

        def body(t, carry):
            go = g0 + t * _NBUF
            for i in range(_NBUF):
                g = go + i
                b = (g0 + i) % _NBUF
                bn = (b + _LOOK) % _NBUF
                w_wait(bn)
                g_start(g + _LOOK, bn)
                g_wait(g, b)
                w_start(g, b)
            return carry

        lax.fori_loop(0, (nchunk - _NBUF) // _NBUF, body, 0)

        for g in range(nchunk - _LOOK, nchunk):
            b = g % _NBUF
            g_wait(g, b)
            w_start(g, b)
        for b in range(_NBUF):
            w_wait(b)

    return k(idx, table)


def kernel(x, table):
    b, h = x.shape
    out = _embed_flat(x.reshape(b * h), table)
    return out.reshape(b, h, table.shape[1])

# --- scband reference (transcript-rebuilt; emitter-appended) ---
"""Pipeline reference for scband-embedding-11819749998695 (READ-ONLY COPY).

The authoritative reference and input builder live on the scoring server;
editing this copy changes nothing except your own understanding.
"""

import jax, jax.numpy as jnp
import numpy as np

VOCAB = 100000
EMB_DIM = 128
PAD_IDX = 3
BATCH = 4096
HIST = 200


def setup_inputs(seed: int = 0) -> dict:
    key = jax.random.key(seed)
    k1, k2 = jax.random.split(key)
    x = jax.random.randint(k1, (BATCH, HIST), 0, VOCAB, dtype=jnp.int32)
    table = jax.random.normal(k2, (VOCAB, EMB_DIM), dtype=jnp.float32)
    # nn.Embedding with padding_idx initializes that row to zeros
    table = table.at[PAD_IDX].set(0.0)
    return {"x": x, "table": table}


def reference(x, table):
    # Faithful to nn.Embedding(padding_idx=3): the padding row always maps to zeros
    t = table.at[PAD_IDX].set(0.0)
    return jnp.take(t, x, axis=0)

if __name__ == "__main__":
    import jax
    _d = setup_inputs()
    print(jax.jit(kernel)(*tuple(_d.values())))

</pallas_src>

<mosaic_0001>
#map = affine_map<(d0, d1) -> (0)>
#map1 = affine_map<(d0, d1) -> (0, 0)>
module attributes {stable_mosaic.version = 14 : i64} {
  func.func @k(%arg0: i32, %arg1: i32, %arg2: memref<819200xi32, #tpu.memory_space<hbm>>, %arg3: memref<100000x128xf32, #tpu.memory_space<hbm>>, %arg4: memref<819200x128xf32, #tpu.memory_space<hbm>>, %arg5: memref<25600xi32, #tpu.memory_space<vmem>>, %arg6: memref<5x128x128xf32, #tpu.memory_space<vmem>>, %arg7: memref<5x!tpu.dma_semaphore, #tpu.memory_space<semaphore_mem>>, %arg8: memref<5x!tpu.dma_semaphore, #tpu.memory_space<semaphore_mem>>) attributes {dimension_semantics = [#tpu.dimension_semantics<core_parallel>, #tpu.dimension_semantics<subcore_parallel>], iteration_bounds = array<i64: 2, 16>, scalar_prefetch = 0 : i64, scratch_operands = 4 : i64, tpu.core_type = #tpu.core_type<sc_vector_subcore>, window_params = [{transform_indices = #map}, {transform_indices = #map1}, {transform_indices = #map1}]} {
    %mul3A = arith.constant 2 : i32
    %mul3A_0 = arith.muli %arg1, %mul3A : i32
    %add3A = arith.addi %mul3A_0, %arg0 : i32
    %mul3A_1 = arith.constant 25600 : i32
    %mul3A_2 = arith.muli %add3A, %mul3A_1 : i32
    "tpu.region"() ({
      %run_scoped3A = tpu.sem_alloc : memref<!tpu.dma_semaphore, #tpu.memory_space<semaphore_mem>>
      %dma_start3A_306 = tpu.memref_slice %arg2[%mul3A_2] : memref<819200xi32, #tpu.memory_space<hbm>> -> memref<25600xi32, #tpu.memory_space<hbm>>
      %dma_start3A_307 = tpu.memref_slice %arg2[%mul3A_2] : memref<819200xi32, #tpu.memory_space<hbm>> -> memref<25600xi32, #tpu.memory_space<hbm>>
      tpu.enqueue_dma source(%dma_start3A_307 : memref<25600xi32, #tpu.memory_space<hbm>>) target(%arg5 : memref<25600xi32, #tpu.memory_space<vmem>>) target_semaphore(%run_scoped3A : memref<!tpu.dma_semaphore, #tpu.memory_space<semaphore_mem>>)
      %dma_wait3A_308 = tpu.memref_slice %arg2[%mul3A_2] : memref<819200xi32, #tpu.memory_space<hbm>> -> memref<25600xi32, #tpu.memory_space<hbm>>
      %dma_wait3A_309 = tpu.memref_slice %arg2[%mul3A_2] : memref<819200xi32, #tpu.memory_space<hbm>> -> memref<25600xi32, #tpu.memory_space<hbm>>
      tpu.wait_dma2 semaphore(%run_scoped3A : memref<!tpu.dma_semaphore, #tpu.memory_space<semaphore_mem>>) src(%dma_wait3A_309 : memref<25600xi32, #tpu.memory_space<hbm>>) dst(%arg5 : memref<25600xi32, #tpu.memory_space<vmem>>)
      tpu.yield
    }) : () -> ()
    %dma_start3A = arith.constant 0 : i32
    %dma_start3A_3 = arith.constant 0 : i32
    %dma_start3A_4 = arith.constant 0 : i32
    %dma_start3A_5 = arith.constant 0 : i32
    %dma_start3A_6 = tpu.memref_slice %arg6[%dma_start3A, %dma_start3A_4, %dma_start3A_5] : memref<5x128x128xf32, #tpu.memory_space<vmem>> -> memref<1x128x128xf32, #tpu.memory_space<vmem>>
    %dma_start3A_7 = tpu.memref_squeeze %dma_start3A_6 : memref<1x128x128xf32, #tpu.memory_space<vmem>> -> memref<128x128xf32, #tpu.memory_space<vmem>>
    %dma_start3A_8 = arith.constant 0 : i32
    %dma_start3A_9 = tpu.memref_slice %arg5[%dma_start3A_8] : memref<25600xi32, #tpu.memory_space<vmem>> -> memref<128xi32, #tpu.memory_space<vmem>>
    %dma_start3A_10 = arith.constant 0 : i32
    %dma_start3A_11 = arith.constant 0 : i32
    %dma_start3A_12 = tpu.memref_slice %arg3[%dma_start3A_10, %dma_start3A_11] : memref<100000x128xf32, #tpu.memory_space<hbm>> -> memref<100000x128xf32, #tpu.memory_space<hbm>>
    %dma_start3A_13 = tpu.memref_slice %arg7[%dma_start3A_3] : memref<5x!tpu.dma_semaphore, #tpu.memory_space<semaphore_mem>> -> memref<1x!tpu.dma_semaphore, #tpu.memory_space<semaphore_mem>>
    %dma_start3A_14 = tpu.memref_squeeze %dma_start3A_13 : memref<1x!tpu.dma_semaphore, #tpu.memory_space<semaphore_mem>> -> memref<!tpu.dma_semaphore, #tpu.memory_space<semaphore_mem>>
    tpu.enqueue_indirect_dma source(%dma_start3A_12 : memref<100000x128xf32, #tpu.memory_space<hbm>>) target(%dma_start3A_7 : memref<128x128xf32, #tpu.memory_space<vmem>>) offsets(%dma_start3A_9 : memref<128xi32, #tpu.memory_space<vmem>>) semaphore(%dma_start3A_14 : memref<!tpu.dma_semaphore, #tpu.memory_space<semaphore_mem>>)
    %dma_start3A_15 = arith.constant 1 : i32
    %dma_start3A_16 = arith.constant 1 : i32
    %dma_start3A_17 = arith.constant 0 : i32
    %dma_start3A_18 = arith.constant 0 : i32
    %dma_start3A_19 = tpu.memref_slice %arg6[%dma_start3A_15, %dma_start3A_17, %dma_start3A_18] : memref<5x128x128xf32, #tpu.memory_space<vmem>> -> memref<1x128x128xf32, #tpu.memory_space<vmem>>
    %dma_start3A_20 = tpu.memref_squeeze %dma_start3A_19 : memref<1x128x128xf32, #tpu.memory_space<vmem>> -> memref<128x128xf32, #tpu.memory_space<vmem>>
    %dma_start3A_21 = arith.constant 128 : i32
    %dma_start3A_22 = tpu.memref_slice %arg5[%dma_start3A_21] : memref<25600xi32, #tpu.memory_space<vmem>> -> memref<128xi32, #tpu.memory_space<vmem>>
    %dma_start3A_23 = arith.constant 0 : i32
    %dma_start3A_24 = arith.constant 0 : i32
    %dma_start3A_25 = tpu.memref_slice %arg3[%dma_start3A_23, %dma_start3A_24] : memref<100000x128xf32, #tpu.memory_space<hbm>> -> memref<100000x128xf32, #tpu.memory_space<hbm>>
    %dma_start3A_26 = tpu.memref_slice %arg7[%dma_start3A_16] : memref<5x!tpu.dma_semaphore, #tpu.memory_space<semaphore_mem>> -> memref<1x!tpu.dma_semaphore, #tpu.memory_space<semaphore_mem>>
    %dma_start3A_27 = tpu.memref_squeeze %dma_start3A_26 : memref<1x!tpu.dma_semaphore, #tpu.memory_space<semaphore_mem>> -> memref<!tpu.dma_semaphore, #tpu.memory_space<semaphore_mem>>
    tpu.enqueue_indirect_dma source(%dma_start3A_25 : memref<100000x128xf32, #tpu.memory_space<hbm>>) target(%dma_start3A_20 : memref<128x128xf32, #tpu.memory_space<vmem>>) offsets(%dma_start3A_22 : memref<128xi32, #tpu.memory_space<vmem>>) semaphore(%dma_start3A_27 : memref<!tpu.dma_semaphore, #tpu.memory_space<semaphore_mem>>)
    %dma_start3A_28 = arith.constant 2 : i32
    %dma_start3A_29 = arith.constant 2 : i32
    %dma_start3A_30 = arith.constant 0 : i32
    %dma_start3A_31 = arith.constant 0 : i32
    %dma_start3A_32 = tpu.memref_slice %arg6[%dma_start3A_28, %dma_start3A_30, %dma_start3A_31] : memref<5x128x128xf32, #tpu.memory_space<vmem>> -> memref<1x128x128xf32, #tpu.memory_space<vmem>>
    %dma_start3A_33 = tpu.memref_squeeze %dma_start3A_32 : memref<1x128x128xf32, #tpu.memory_space<vmem>> -> memref<128x128xf32, #tpu.memory_space<vmem>>
    %dma_start3A_34 = arith.constant 256 : i32
    %dma_start3A_35 = tpu.memref_slice %arg5[%dma_start3A_34] : memref<25600xi32, #tpu.memory_space<vmem>> -> memref<128xi32, #tpu.memory_space<vmem>>
    %dma_start3A_36 = arith.constant 0 : i32
    %dma_start3A_37 = arith.constant 0 : i32
    %dma_start3A_38 = tpu.memref_slice %arg3[%dma_start3A_36, %dma_start3A_37] : memref<100000x128xf32, #tpu.memory_space<hbm>> -> memref<100000x128xf32, #tpu.memory_space<hbm>>
    %dma_start3A_39 = tpu.memref_slice %arg7[%dma_start3A_29] : memref<5x!tpu.dma_semaphore, #tpu.memory_space<semaphore_mem>> -> memref<1x!tpu.dma_semaphore, #tpu.memory_space<semaphore_mem>>
    %dma_start3A_40 = tpu.memref_squeeze %dma_start3A_39 : memref<1x!tpu.dma_semaphore, #tpu.memory_space<semaphore_mem>> -> memref<!tpu.dma_semaphore, #tpu.memory_space<semaphore_mem>>
    tpu.enqueue_indirect_dma source(%dma_start3A_38 : memref<100000x128xf32, #tpu.memory_space<hbm>>) target(%dma_start3A_33 : memref<128x128xf32, #tpu.memory_space<vmem>>) offsets(%dma_start3A_35 : memref<128xi32, #tpu.memory_space<vmem>>) semaphore(%dma_start3A_40 : memref<!tpu.dma_semaphore, #tpu.memory_space<semaphore_mem>>)
    %dma_wait3A = arith.constant 0 : i32
    %dma_wait3A_41 = arith.constant 0 : i32
    %dma_wait3A_42 = arith.constant 0 : i32
    %dma_wait3A_43 = arith.constant 0 : i32
    %dma_wait3A_44 = tpu.memref_slice %arg6[%dma_wait3A, %dma_wait3A_42, %dma_wait3A_43] : memref<5x128x128xf32, #tpu.memory_space<vmem>> -> memref<1x128x128xf32, #tpu.memory_space<vmem>>
    %dma_wait3A_45 = tpu.memref_squeeze %dma_wait3A_44 : memref<1x128x128xf32, #tpu.memory_space<vmem>> -> memref<128x128xf32, #tpu.memory_space<vmem>>
    %dma_wait3A_46 = arith.constant 0 : i32
    %dma_wait3A_47 = tpu.memref_slice %arg5[%dma_wait3A_46] : memref<25600xi32, #tpu.memory_space<vmem>> -> memref<128xi32, #tpu.memory_space<vmem>>
    %dma_wait3A_48 = arith.constant 0 : i32
    %dma_wait3A_49 = arith.constant 0 : i32
    %dma_wait3A_50 = tpu.memref_slice %arg3[%dma_wait3A_48, %dma_wait3A_49] : memref<100000x128xf32, #tpu.memory_space<hbm>> -> memref<100000x128xf32, #tpu.memory_space<hbm>>
    %dma_wait3A_51 = tpu.memref_slice %arg7[%dma_wait3A_41] : memref<5x!tpu.dma_semaphore, #tpu.memory_space<semaphore_mem>> -> memref<1x!tpu.dma_semaphore, #tpu.memory_space<semaphore_mem>>
    %dma_wait3A_52 = tpu.memref_squeeze %dma_wait3A_51 : memref<1x!tpu.dma_semaphore, #tpu.memory_space<semaphore_mem>> -> memref<!tpu.dma_semaphore, #tpu.memory_space<semaphore_mem>>
    tpu.wait_indirect_dma semaphore(%dma_wait3A_52 : memref<!tpu.dma_semaphore, #tpu.memory_space<semaphore_mem>>) src(%dma_wait3A_50 : memref<100000x128xf32, #tpu.memory_space<hbm>>) dst(%dma_wait3A_45 : memref<128x128xf32, #tpu.memory_space<vmem>>)
    %add3A_53 = arith.constant 0 : i32
    %add3A_54 = arith.addi %mul3A_2, %add3A_53 : i32
    %dma_start3A_55 = arith.constant 0 : i32
    %dma_start3A_56 = arith.constant 0 : i32
    %dma_start3A_57 = arith.constant 0 : i32
    %dma_start3A_58 = arith.constant 0 : i32
    %dma_start3A_59 = tpu.memref_slice %arg6[%dma_start3A_55, %dma_start3A_57, %dma_start3A_58] : memref<5x128x128xf32, #tpu.memory_space<vmem>> -> memref<1x128x128xf32, #tpu.memory_space<vmem>>
    %dma_start3A_60 = tpu.memref_squeeze %dma_start3A_59 : memref<1x128x128xf32, #tpu.memory_space<vmem>> -> memref<128x128xf32, #tpu.memory_space<vmem>>
    %dma_start3A_61 = arith.constant 0 : i32
    %dma_start3A_62 = tpu.memref_slice %arg4[%add3A_54, %dma_start3A_61] : memref<819200x128xf32, #tpu.memory_space<hbm>> -> memref<128x128xf32, #tpu.memory_space<hbm>>
    %dma_start3A_63 = tpu.memref_slice %arg8[%dma_start3A_56] : memref<5x!tpu.dma_semaphore, #tpu.memory_space<semaphore_mem>> -> memref<1x!tpu.dma_semaphore, #tpu.memory_space<semaphore_mem>>
    %dma_start3A_64 = tpu.memref_squeeze %dma_start3A_63 : memref<1x!tpu.dma_semaphore, #tpu.memory_space<semaphore_mem>> -> memref<!tpu.dma_semaphore, #tpu.memory_space<semaphore_mem>>
    %dma_start3A_65 = arith.constant 0 : i32
    %dma_start3A_66 = tpu.memref_slice %arg4[%add3A_54, %dma_start3A_65] : memref<819200x128xf32, #tpu.memory_space<hbm>> -> memref<128x128xf32, #tpu.memory_space<hbm>>
    %dma_start3A_67 = arith.constant 0 : i32
    %dma_start3A_68 = arith.constant 0 : i32
    %dma_start3A_69 = tpu.memref_slice %arg6[%dma_start3A_55, %dma_start3A_67, %dma_start3A_68] : memref<5x128x128xf32, #tpu.memory_space<vmem>> -> memref<1x128x128xf32, #tpu.memory_space<vmem>>
    %dma_start3A_70 = tpu.memref_squeeze %dma_start3A_69 : memref<1x128x128xf32, #tpu.memory_space<vmem>> -> memref<128x128xf32, #tpu.memory_space<vmem>>
    tpu.enqueue_dma source(%dma_start3A_70 : memref<128x128xf32, #tpu.memory_space<vmem>>) target(%dma_start3A_66 : memref<128x128xf32, #tpu.memory_space<hbm>>) target_semaphore(%dma_start3A_64 : memref<!tpu.dma_semaphore, #tpu.memory_space<semaphore_mem>>)
    %dma_start3A_71 = arith.constant 3 : i32
    %dma_start3A_72 = arith.constant 3 : i32
    %dma_start3A_73 = arith.constant 0 : i32
    %dma_start3A_74 = arith.constant 0 : i32
    %dma_start3A_75 = tpu.memref_slice %arg6[%dma_start3A_71, %dma_start3A_73, %dma_start3A_74] : memref<5x128x128xf32, #tpu.memory_space<vmem>> -> memref<1x128x128xf32, #tpu.memory_space<vmem>>
    %dma_start3A_76 = tpu.memref_squeeze %dma_start3A_75 : memref<1x128x128xf32, #tpu.memory_space<vmem>> -> memref<128x128xf32, #tpu.memory_space<vmem>>
    %dma_start3A_77 = arith.constant 384 : i32
    %dma_start3A_78 = tpu.memref_slice %arg5[%dma_start3A_77] : memref<25600xi32, #tpu.memory_space<vmem>> -> memref<128xi32, #tpu.memory_space<vmem>>
    %dma_start3A_79 = arith.constant 0 : i32
    %dma_start3A_80 = arith.constant 0 : i32
    %dma_start3A_81 = tpu.memref_slice %arg3[%dma_start3A_79, %dma_start3A_80] : memref<100000x128xf32, #tpu.memory_space<hbm>> -> memref<100000x128xf32, #tpu.memory_space<hbm>>
    %dma_start3A_82 = tpu.memref_slice %arg7[%dma_start3A_72] : memref<5x!tpu.dma_semaphore, #tpu.memory_space<semaphore_mem>> -> memref<1x!tpu.dma_semaphore, #tpu.memory_space<semaphore_mem>>
    %dma_start3A_83 = tpu.memref_squeeze %dma_start3A_82 : memref<1x!tpu.dma_semaphore, #tpu.memory_space<semaphore_mem>> -> memref<!tpu.dma_semaphore, #tpu.memory_space<semaphore_mem>>
    tpu.enqueue_indirect_dma source(%dma_start3A_81 : memref<100000x128xf32, #tpu.memory_space<hbm>>) target(%dma_start3A_76 : memref<128x128xf32, #tpu.memory_space<vmem>>) offsets(%dma_start3A_78 : memref<128xi32, #tpu.memory_space<vmem>>) semaphore(%dma_start3A_83 : memref<!tpu.dma_semaphore, #tpu.memory_space<semaphore_mem>>)
    %dma_wait3A_84 = arith.constant 1 : i32
    %dma_wait3A_85 = arith.constant 1 : i32
    %dma_wait3A_86 = arith.constant 0 : i32
    %dma_wait3A_87 = arith.constant 0 : i32
    %dma_wait3A_88 = tpu.memref_slice %arg6[%dma_wait3A_84, %dma_wait3A_86, %dma_wait3A_87] : memref<5x128x128xf32, #tpu.memory_space<vmem>> -> memref<1x128x128xf32, #tpu.memory_space<vmem>>
    %dma_wait3A_89 = tpu.memref_squeeze %dma_wait3A_88 : memref<1x128x128xf32, #tpu.memory_space<vmem>> -> memref<128x128xf32, #tpu.memory_space<vmem>>
    %dma_wait3A_90 = arith.constant 128 : i32
    %dma_wait3A_91 = tpu.memref_slice %arg5[%dma_wait3A_90] : memref<25600xi32, #tpu.memory_space<vmem>> -> memref<128xi32, #tpu.memory_space<vmem>>
    %dma_wait3A_92 = arith.constant 0 : i32
    %dma_wait3A_93 = arith.constant 0 : i32
    %dma_wait3A_94 = tpu.memref_slice %arg3[%dma_wait3A_92, %dma_wait3A_93] : memref<100000x128xf32, #tpu.memory_space<hbm>> -> memref<100000x128xf32, #tpu.memory_space<hbm>>
    %dma_wait3A_95 = tpu.memref_slice %arg7[%dma_wait3A_85] : memref<5x!tpu.dma_semaphore, #tpu.memory_space<semaphore_mem>> -> memref<1x!tpu.dma_semaphore, #tpu.memory_space<semaphore_mem>>
    %dma_wait3A_96 = tpu.memref_squeeze %dma_wait3A_95 : memref<1x!tpu.dma_semaphore, #tpu.memory_space<semaphore_mem>> -> memref<!tpu.dma_semaphore, #tpu.memory_space<semaphore_mem>>
    tpu.wait_indirect_dma semaphore(%dma_wait3A_96 : memref<!tpu.dma_semaphore, #tpu.memory_space<semaphore_mem>>) src(%dma_wait3A_94 : memref<100000x128xf32, #tpu.memory_space<hbm>>) dst(%dma_wait3A_89 : memref<128x128xf32, #tpu.memory_space<vmem>>)
    %add3A_97 = arith.constant 128 : i32
    %add3A_98 = arith.addi %mul3A_2, %add3A_97 : i32
    %dma_start3A_99 = arith.constant 1 : i32
    %dma_start3A_100 = arith.constant 1 : i32
    %dma_start3A_101 = arith.constant 0 : i32
    %dma_start3A_102 = arith.constant 0 : i32
    %dma_start3A_103 = tpu.memref_slice %arg6[%dma_start3A_99, %dma_start3A_101, %dma_start3A_102] : memref<5x128x128xf32, #tpu.memory_space<vmem>> -> memref<1x128x128xf32, #tpu.memory_space<vmem>>
    %dma_start3A_104 = tpu.memref_squeeze %dma_start3A_103 : memref<1x128x128xf32, #tpu.memory_space<vmem>> -> memref<128x128xf32, #tpu.memory_space<vmem>>
    %dma_start3A_105 = arith.constant 0 : i32
    %dma_start3A_106 = tpu.memref_slice %arg4[%add3A_98, %dma_start3A_105] : memref<819200x128xf32, #tpu.memory_space<hbm>> -> memref<128x128xf32, #tpu.memory_space<hbm>>
    %dma_start3A_107 = tpu.memref_slice %arg8[%dma_start3A_100] : memref<5x!tpu.dma_semaphore, #tpu.memory_space<semaphore_mem>> -> memref<1x!tpu.dma_semaphore, #tpu.memory_space<semaphore_mem>>
    %dma_start3A_108 = tpu.memref_squeeze %dma_start3A_107 : memref<1x!tpu.dma_semaphore, #tpu.memory_space<semaphore_mem>> -> memref<!tpu.dma_semaphore, #tpu.memory_space<semaphore_mem>>
    %dma_start3A_109 = arith.constant 0 : i32
    %dma_start3A_110 = tpu.memref_slice %arg4[%add3A_98, %dma_start3A_109] : memref<819200x128xf32, #tpu.memory_space<hbm>> -> memref<128x128xf32, #tpu.memory_space<hbm>>
    %dma_start3A_111 = arith.constant 0 : i32
    %dma_start3A_112 = arith.constant 0 : i32
    %dma_start3A_113 = tpu.memref_slice %arg6[%dma_start3A_99, %dma_start3A_111, %dma_start3A_112] : memref<5x128x128xf32, #tpu.memory_space<vmem>> -> memref<1x128x128xf32, #tpu.memory_space<vmem>>
    %dma_start3A_114 = tpu.memref_squeeze %dma_start3A_113 : memref<1x128x128xf32, #tpu.memory_space<vmem>> -> memref<128x128xf32, #tpu.memory_space<vmem>>
    tpu.enqueue_dma source(%dma_start3A_114 : memref<128x128xf32, #tpu.memory_space<vmem>>) target(%dma_start3A_110 : memref<128x128xf32, #tpu.memory_space<hbm>>) target_semaphore(%dma_start3A_108 : memref<!tpu.dma_semaphore, #tpu.memory_space<semaphore_mem>>)
    %dma_start3A_115 = arith.constant 4 : i32
    %dma_start3A_116 = arith.constant 4 : i32
    %dma_start3A_117 = arith.constant 0 : i32
    %dma_start3A_118 = arith.constant 0 : i32
    %dma_start3A_119 = tpu.memref_slice %arg6[%dma_start3A_115, %dma_start3A_117, %dma_start3A_118] : memref<5x128x128xf32, #tpu.memory_space<vmem>> -> memref<1x128x128xf32, #tpu.memory_space<vmem>>
    %dma_start3A_120 = tpu.memref_squeeze %dma_start3A_119 : memref<1x128x128xf32, #tpu.memory_space<vmem>> -> memref<128x128xf32, #tpu.memory_space<vmem>>
    %dma_start3A_121 = arith.constant 512 : i32
    %dma_start3A_122 = tpu.memref_slice %arg5[%dma_start3A_121] : memref<25600xi32, #tpu.memory_space<vmem>> -> memref<128xi32, #tpu.memory_space<vmem>>
    %dma_start3A_123 = arith.constant 0 : i32
    %dma_start3A_124 = arith.constant 0 : i32
    %dma_start3A_125 = tpu.memref_slice %arg3[%dma_start3A_123, %dma_start3A_124] : memref<100000x128xf32, #tpu.memory_space<hbm>> -> memref<100000x128xf32, #tpu.memory_space<hbm>>
    %dma_start3A_126 = tpu.memref_slice %arg7[%dma_start3A_116] : memref<5x!tpu.dma_semaphore, #tpu.memory_space<semaphore_mem>> -> memref<1x!tpu.dma_semaphore, #tpu.memory_space<semaphore_mem>>
    %dma_start3A_127 = tpu.memref_squeeze %dma_start3A_126 : memref<1x!tpu.dma_semaphore, #tpu.memory_space<semaphore_mem>> -> memref<!tpu.dma_semaphore, #tpu.memory_space<semaphore_mem>>
    tpu.enqueue_indirect_dma source(%dma_start3A_125 : memref<100000x128xf32, #tpu.memory_space<hbm>>) target(%dma_start3A_120 : memref<128x128xf32, #tpu.memory_space<vmem>>) offsets(%dma_start3A_122 : memref<128xi32, #tpu.memory_space<vmem>>) semaphore(%dma_start3A_127 : memref<!tpu.dma_semaphore, #tpu.memory_space<semaphore_mem>>)
    %dma_wait3A_128 = arith.constant 2 : i32
    %dma_wait3A_129 = arith.constant 2 : i32
    %dma_wait3A_130 = arith.constant 0 : i32
    %dma_wait3A_131 = arith.constant 0 : i32
    %dma_wait3A_132 = tpu.memref_slice %arg6[%dma_wait3A_128, %dma_wait3A_130, %dma_wait3A_131] : memref<5x128x128xf32, #tpu.memory_space<vmem>> -> memref<1x128x128xf32, #tpu.memory_space<vmem>>
    %dma_wait3A_133 = tpu.memref_squeeze %dma_wait3A_132 : memref<1x128x128xf32, #tpu.memory_space<vmem>> -> memref<128x128xf32, #tpu.memory_space<vmem>>
    %dma_wait3A_134 = arith.constant 256 : i32
    %dma_wait3A_135 = tpu.memref_slice %arg5[%dma_wait3A_134] : memref<25600xi32, #tpu.memory_space<vmem>> -> memref<128xi32, #tpu.memory_space<vmem>>
    %dma_wait3A_136 = arith.constant 0 : i32
    %dma_wait3A_137 = arith.constant 0 : i32
    %dma_wait3A_138 = tpu.memref_slice %arg3[%dma_wait3A_136, %dma_wait3A_137] : memref<100000x128xf32, #tpu.memory_space<hbm>> -> memref<100000x128xf32, #tpu.memory_space<hbm>>
    %dma_wait3A_139 = tpu.memref_slice %arg7[%dma_wait3A_129] : memref<5x!tpu.dma_semaphore, #tpu.memory_space<semaphore_mem>> -> memref<1x!tpu.dma_semaphore, #tpu.memory_space<semaphore_mem>>
    %dma_wait3A_140 = tpu.memref_squeeze %dma_wait3A_139 : memref<1x!tpu.dma_semaphore, #tpu.memory_space<semaphore_mem>> -> memref<!tpu.dma_semaphore, #tpu.memory_space<semaphore_mem>>
    tpu.wait_indirect_dma semaphore(%dma_wait3A_140 : memref<!tpu.dma_semaphore, #tpu.memory_space<semaphore_mem>>) src(%dma_wait3A_138 : memref<100000x128xf32, #tpu.memory_space<hbm>>) dst(%dma_wait3A_133 : memref<128x128xf32, #tpu.memory_space<vmem>>)
    %add3A_141 = arith.constant 256 : i32
    %add3A_142 = arith.addi %mul3A_2, %add3A_141 : i32
    %dma_start3A_143 = arith.constant 2 : i32
    %dma_start3A_144 = arith.constant 2 : i32
    %dma_start3A_145 = arith.constant 0 : i32
    %dma_start3A_146 = arith.constant 0 : i32
    %dma_start3A_147 = tpu.memref_slice %arg6[%dma_start3A_143, %dma_start3A_145, %dma_start3A_146] : memref<5x128x128xf32, #tpu.memory_space<vmem>> -> memref<1x128x128xf32, #tpu.memory_space<vmem>>
    %dma_start3A_148 = tpu.memref_squeeze %dma_start3A_147 : memref<1x128x128xf32, #tpu.memory_space<vmem>> -> memref<128x128xf32, #tpu.memory_space<vmem>>
    %dma_start3A_149 = arith.constant 0 : i32
    %dma_start3A_150 = tpu.memref_slice %arg4[%add3A_142, %dma_start3A_149] : memref<819200x128xf32, #tpu.memory_space<hbm>> -> memref<128x128xf32, #tpu.memory_space<hbm>>
    %dma_start3A_151 = tpu.memref_slice %arg8[%dma_start3A_144] : memref<5x!tpu.dma_semaphore, #tpu.memory_space<semaphore_mem>> -> memref<1x!tpu.dma_semaphore, #tpu.memory_space<semaphore_mem>>
    %dma_start3A_152 = tpu.memref_squeeze %dma_start3A_151 : memref<1x!tpu.dma_semaphore, #tpu.memory_space<semaphore_mem>> -> memref<!tpu.dma_semaphore, #tpu.memory_space<semaphore_mem>>
    %dma_start3A_153 = arith.constant 0 : i32
    %dma_start3A_154 = tpu.memref_slice %arg4[%add3A_142, %dma_start3A_153] : memref<819200x128xf32, #tpu.memory_space<hbm>> -> memref<128x128xf32, #tpu.memory_space<hbm>>
    %dma_start3A_155 = arith.constant 0 : i32
    %dma_start3A_156 = arith.constant 0 : i32
    %dma_start3A_157 = tpu.memref_slice %arg6[%dma_start3A_143, %dma_start3A_155, %dma_start3A_156] : memref<5x128x128xf32, #tpu.memory_space<vmem>> -> memref<1x128x128xf32, #tpu.memory_space<vmem>>
    %dma_start3A_158 = tpu.memref_squeeze %dma_start3A_157 : memref<1x128x128xf32, #tpu.memory_space<vmem>> -> memref<128x128xf32, #tpu.memory_space<vmem>>
    tpu.enqueue_dma source(%dma_start3A_158 : memref<128x128xf32, #tpu.memory_space<vmem>>) target(%dma_start3A_154 : memref<128x128xf32, #tpu.memory_space<hbm>>) target_semaphore(%dma_start3A_152 : memref<!tpu.dma_semaphore, #tpu.memory_space<semaphore_mem>>)
    %scan3A = arith.constant 0 : i32
    %scan3A_159 = arith.constant 0 : i32
    %scan3A_160 = arith.constant 39 : i32
    %scan3A_161 = arith.addi %scan3A_159, %scan3A_160 : i32
    %scan3A_162 = arith.constant 1 : i32
    scf.for %scan3A_306 = %scan3A_159 to %scan3A_161 step %scan3A_162  : i32 {
      %mul3A_307 = arith.constant 5 : i32
      %mul3A_308 = arith.muli %scan3A_306, %mul3A_307 : i32
      %add3A_309 = arith.constant 3 : i32
      %add3A_310 = arith.addi %add3A_309, %mul3A_308 : i32
      %add3A_311 = arith.constant 0 : i32
      %add3A_312 = arith.addi %add3A_310, %add3A_311 : i32
      %dma_wait3A_313 = arith.constant 0 : i32
      %dma_wait3A_314 = arith.constant 0 : i32
      %dma_wait3A_315 = arith.constant 0 : i32
      %dma_wait3A_316 = arith.constant 0 : i32
      %dma_wait3A_317 = tpu.memref_slice %arg6[%dma_wait3A_313, %dma_wait3A_315, %dma_wait3A_316] : memref<5x128x128xf32, #tpu.memory_space<vmem>> -> memref<1x128x128xf32, #tpu.memory_space<vmem>>
      %dma_wait3A_318 = tpu.memref_squeeze %dma_wait3A_317 : memref<1x128x128xf32, #tpu.memory_space<vmem>> -> memref<128x128xf32, #tpu.memory_space<vmem>>
      %dma_wait3A_319 = arith.constant 0 : i32
      %dma_wait3A_320 = tpu.memref_slice %arg4[%mul3A_2, %dma_wait3A_319] : memref<819200x128xf32, #tpu.memory_space<hbm>> -> memref<128x128xf32, #tpu.memory_space<hbm>>
      %dma_wait3A_321 = tpu.memref_slice %arg8[%dma_wait3A_314] : memref<5x!tpu.dma_semaphore, #tpu.memory_space<semaphore_mem>> -> memref<1x!tpu.dma_semaphore, #tpu.memory_space<semaphore_mem>>
      %dma_wait3A_322 = tpu.memref_squeeze %dma_wait3A_321 : memref<1x!tpu.dma_semaphore, #tpu.memory_space<semaphore_mem>> -> memref<!tpu.dma_semaphore, #tpu.memory_space<semaphore_mem>>
      %dma_wait3A_323 = arith.constant 0 : i32
      %dma_wait3A_324 = tpu.memref_slice %arg4[%mul3A_2, %dma_wait3A_323] : memref<819200x128xf32, #tpu.memory_space<hbm>> -> memref<128x128xf32, #tpu.memory_space<hbm>>
      %dma_wait3A_325 = arith.constant 0 : i32
      %dma_wait3A_326 = arith.constant 0 : i32
      %dma_wait3A_327 = tpu.memref_slice %arg6[%dma_wait3A_313, %dma_wait3A_325, %dma_wait3A_326] : memref<5x128x128xf32, #tpu.memory_space<vmem>> -> memref<1x128x128xf32, #tpu.memory_space<vmem>>
      %dma_wait3A_328 = tpu.memref_squeeze %dma_wait3A_327 : memref<1x128x128xf32, #tpu.memory_space<vmem>> -> memref<128x128xf32, #tpu.memory_space<vmem>>
      tpu.wait_dma2 semaphore(%dma_wait3A_322 : memref<!tpu.dma_semaphore, #tpu.memory_space<semaphore_mem>>) src(%dma_wait3A_328 : memref<128x128xf32, #tpu.memory_space<vmem>>) dst(%dma_wait3A_324 : memref<128x128xf32, #tpu.memory_space<hbm>>)
      %add3A_329 = arith.constant 2 : i32
      %add3A_330 = arith.addi %add3A_312, %add3A_329 : i32
      %mul3A_331 = arith.constant 128 : i32
      %mul3A_332 = arith.muli %add3A_330, %mul3A_331 : i32
      %add3A_333 = arith.constant 0 : i32
      %add3A_334 = arith.addi %mul3A_332, %add3A_333 : i32
      %dma_start3A_335 = arith.constant 0 : i32
      %dma_start3A_336 = arith.constant 0 : i32
      %dma_start3A_337 = arith.constant 0 : i32
      %dma_start3A_338 = arith.constant 0 : i32
      %dma_start3A_339 = tpu.memref_slice %arg6[%dma_start3A_335, %dma_start3A_337, %dma_start3A_338] : memref<5x128x128xf32, #tpu.memory_space<vmem>> -> memref<1x128x128xf32, #tpu.memory_space<vmem>>
      %dma_start3A_340 = tpu.memref_squeeze %dma_start3A_339 : memref<1x128x128xf32, #tpu.memory_space<vmem>> -> memref<128x128xf32, #tpu.memory_space<vmem>>
      %dma_start3A_341 = tpu.memref_slice %arg5[%add3A_334] : memref<25600xi32, #tpu.memory_space<vmem>> -> memref<128xi32, #tpu.memory_space<vmem>>
      %dma_start3A_342 = arith.constant 0 : i32
      %dma_start3A_343 = arith.constant 0 : i32
      %dma_start3A_344 = tpu.memref_slice %arg3[%dma_start3A_342, %dma_start3A_343] : memref<100000x128xf32, #tpu.memory_space<hbm>> -> memref<100000x128xf32, #tpu.memory_space<hbm>>
      %dma_start3A_345 = tpu.memref_slice %arg7[%dma_start3A_336] : memref<5x!tpu.dma_semaphore, #tpu.memory_space<semaphore_mem>> -> memref<1x!tpu.dma_semaphore, #tpu.memory_space<semaphore_mem>>
      %dma_start3A_346 = tpu.memref_squeeze %dma_start3A_345 : memref<1x!tpu.dma_semaphore, #tpu.memory_space<semaphore_mem>> -> memref<!tpu.dma_semaphore, #tpu.memory_space<semaphore_mem>>
      tpu.enqueue_indirect_dma source(%dma_start3A_344 : memref<100000x128xf32, #tpu.memory_space<hbm>>) target(%dma_start3A_340 : memref<128x128xf32, #tpu.memory_space<vmem>>) offsets(%dma_start3A_341 : memref<128xi32, #tpu.memory_space<vmem>>) semaphore(%dma_start3A_346 : memref<!tpu.dma_semaphore, #tpu.memory_space<semaphore_mem>>)
      %mul3A_347 = arith.constant 128 : i32
      %mul3A_348 = arith.muli %add3A_312, %mul3A_347 : i32
      %add3A_349 = arith.constant 0 : i32
      %add3A_350 = arith.addi %mul3A_348, %add3A_349 : i32
      %dma_wait3A_351 = arith.constant 3 : i32
      %dma_wait3A_352 = arith.constant 3 : i32
      %dma_wait3A_353 = arith.constant 0 : i32
      %dma_wait3A_354 = arith.constant 0 : i32
      %dma_wait3A_355 = tpu.memref_slice %arg6[%dma_wait3A_351, %dma_wait3A_353, %dma_wait3A_354] : memref<5x128x128xf32, #tpu.memory_space<vmem>> -> memref<1x128x128xf32, #tpu.memory_space<vmem>>
      %dma_wait3A_356 = tpu.memref_squeeze %dma_wait3A_355 : memref<1x128x128xf32, #tpu.memory_space<vmem>> -> memref<128x128xf32, #tpu.memory_space<vmem>>
      %dma_wait3A_357 = tpu.memref_slice %arg5[%add3A_350] : memref<25600xi32, #tpu.memory_space<vmem>> -> memref<128xi32, #tpu.memory_space<vmem>>
      %dma_wait3A_358 = arith.constant 0 : i32
      %dma_wait3A_359 = arith.constant 0 : i32
      %dma_wait3A_360 = tpu.memref_slice %arg3[%dma_wait3A_358, %dma_wait3A_359] : memref<100000x128xf32, #tpu.memory_space<hbm>> -> memref<100000x128xf32, #tpu.memory_space<hbm>>
      %dma_wait3A_361 = tpu.memref_slice %arg7[%dma_wait3A_352] : memref<5x!tpu.dma_semaphore, #tpu.memory_space<semaphore_mem>> -> memref<1x!tpu.dma_semaphore, #tpu.memory_space<semaphore_mem>>
      %dma_wait3A_362 = tpu.memref_squeeze %dma_wait3A_361 : memref<1x!tpu.dma_semaphore, #tpu.memory_space<semaphore_mem>> -> memref<!tpu.dma_semaphore, #tpu.memory_space<semaphore_mem>>
      tpu.wait_indirect_dma semaphore(%dma_wait3A_362 : memref<!tpu.dma_semaphore, #tpu.memory_space<semaphore_mem>>) src(%dma_wait3A_360 : memref<100000x128xf32, #tpu.memory_space<hbm>>) dst(%dma_wait3A_356 : memref<128x128xf32, #tpu.memory_space<vmem>>)
      %mul3A_363 = arith.constant 128 : i32
      %mul3A_364 = arith.muli %add3A_312, %mul3A_363 : i32
      %add3A_365 = arith.addi %mul3A_2, %mul3A_364 : i32
      %dma_start3A_366 = arith.constant 3 : i32
      %dma_start3A_367 = arith.constant 3 : i32
      %dma_start3A_368 = arith.constant 0 : i32
      %dma_start3A_369 = arith.constant 0 : i32
      %dma_start3A_370 = tpu.memref_slice %arg6[%dma_start3A_366, %dma_start3A_368, %dma_start3A_369] : memref<5x128x128xf32, #tpu.memory_space<vmem>> -> memref<1x128x128xf32, #tpu.memory_space<vmem>>
      %dma_start3A_371 = tpu.memref_squeeze %dma_start3A_370 : memref<1x128x128xf32, #tpu.memory_space<vmem>> -> memref<128x128xf32, #tpu.memory_space<vmem>>
      %dma_start3A_372 = arith.constant 0 : i32
      %dma_start3A_373 = tpu.memref_slice %arg4[%add3A_365, %dma_start3A_372] : memref<819200x128xf32, #tpu.memory_space<hbm>> -> memref<128x128xf32, #tpu.memory_space<hbm>>
      %dma_start3A_374 = tpu.memref_slice %arg8[%dma_start3A_367] : memref<5x!tpu.dma_semaphore, #tpu.memory_space<semaphore_mem>> -> memref<1x!tpu.dma_semaphore, #tpu.memory_space<semaphore_mem>>
      %dma_start3A_375 = tpu.memref_squeeze %dma_start3A_374 : memref<1x!tpu.dma_semaphore, #tpu.memory_space<semaphore_mem>> -> memref<!tpu.dma_semaphore, #tpu.memory_space<semaphore_mem>>
      %dma_start3A_376 = arith.constant 0 : i32
      %dma_start3A_377 = tpu.memref_slice %arg4[%add3A_365, %dma_start3A_376] : memref<819200x128xf32, #tpu.memory_space<hbm>> -> memref<128x128xf32, #tpu.memory_space<hbm>>
      %dma_start3A_378 = arith.constant 0 : i32
      %dma_start3A_379 = arith.constant 0 : i32
      %dma_start3A_380 = tpu.memref_slice %arg6[%dma_start3A_366, %dma_start3A_378, %dma_start3A_379] : memref<5x128x128xf32, #tpu.memory_space<vmem>> -> memref<1x128x128xf32, #tpu.memory_space<vmem>>
      %dma_start3A_381 = tpu.memref_squeeze %dma_start3A_380 : memref<1x128x128xf32, #tpu.memory_space<vmem>> -> memref<128x128xf32, #tpu.memory_space<vmem>>
      tpu.enqueue_dma source(%dma_start3A_381 : memref<128x128xf32, #tpu.memory_space<vmem>>) target(%dma_start3A_377 : memref<128x128xf32, #tpu.memory_space<hbm>>) target_semaphore(%dma_start3A_375 : memref<!tpu.dma_semaphore, #tpu.memory_space<semaphore_mem>>)
      %add3A_382 = arith.constant 1 : i32
      %add3A_383 = arith.addi %add3A_310, %add3A_382 : i32
      %dma_wait3A_384 = arith.constant 1 : i32
      %dma_wait3A_385 = arith.constant 1 : i32
      %dma_wait3A_386 = arith.constant 0 : i32
      %dma_wait3A_387 = arith.constant 0 : i32
      %dma_wait3A_388 = tpu.memref_slice %arg6[%dma_wait3A_384, %dma_wait3A_386, %dma_wait3A_387] : memref<5x128x128xf32, #tpu.memory_space<vmem>> -> memref<1x128x128xf32, #tpu.memory_space<vmem>>
      %dma_wait3A_389 = tpu.memref_squeeze %dma_wait3A_388 : memref<1x128x128xf32, #tpu.memory_space<vmem>> -> memref<128x128xf32, #tpu.memory_space<vmem>>
      %dma_wait3A_390 = arith.constant 0 : i32
      %dma_wait3A_391 = tpu.memref_slice %arg4[%mul3A_2, %dma_wait3A_390] : memref<819200x128xf32, #tpu.memory_space<hbm>> -> memref<128x128xf32, #tpu.memory_space<hbm>>
      %dma_wait3A_392 = tpu.memref_slice %arg8[%dma_wait3A_385] : memref<5x!tpu.dma_semaphore, #tpu.memory_space<semaphore_mem>> -> memref<1x!tpu.dma_semaphore, #tpu.memory_space<semaphore_mem>>
      %dma_wait3A_393 = tpu.memref_squeeze %dma_wait3A_392 : memref<1x!tpu.dma_semaphore, #tpu.memory_space<semaphore_mem>> -> memref<!tpu.dma_semaphore, #tpu.memory_space<semaphore_mem>>
      %dma_wait3A_394 = arith.constant 0 : i32
      %dma_wait3A_395 = tpu.memref_slice %arg4[%mul3A_2, %dma_wait3A_394] : memref<819200x128xf32, #tpu.memory_space<hbm>> -> memref<128x128xf32, #tpu.memory_space<hbm>>
      %dma_wait3A_396 = arith.constant 0 : i32
      %dma_wait3A_397 = arith.constant 0 : i32
      %dma_wait3A_398 = tpu.memref_slice %arg6[%dma_wait3A_384, %dma_wait3A_396, %dma_wait3A_397] : memref<5x128x128xf32, #tpu.memory_space<vmem>> -> memref<1x128x128xf32, #tpu.memory_space<vmem>>
      %dma_wait3A_399 = tpu.memref_squeeze %dma_wait3A_398 : memref<1x128x128xf32, #tpu.memory_space<vmem>> -> memref<128x128xf32, #tpu.memory_space<vmem>>
      tpu.wait_dma2 semaphore(%dma_wait3A_393 : memref<!tpu.dma_semaphore, #tpu.memory_space<semaphore_mem>>) src(%dma_wait3A_399 : memref<128x128xf32, #tpu.memory_space<vmem>>) dst(%dma_wait3A_395 : memref<128x128xf32, #tpu.memory_space<hbm>>)
      %add3A_400 = arith.constant 2 : i32
      %add3A_401 = arith.addi %add3A_383, %add3A_400 : i32
      %mul3A_402 = arith.constant 128 : i32
      %mul3A_403 = arith.muli %add3A_401, %mul3A_402 : i32
      %add3A_404 = arith.constant 0 : i32
      %add3A_405 = arith.addi %mul3A_403, %add3A_404 : i32
      %dma_start3A_406 = arith.constant 1 : i32
      %dma_start3A_407 = arith.constant 1 : i32
      %dma_start3A_408 = arith.constant 0 : i32
      %dma_start3A_409 = arith.constant 0 : i32
      %dma_start3A_410 = tpu.memref_slice %arg6[%dma_start3A_406, %dma_start3A_408, %dma_start3A_409] : memref<5x128x128xf32, #tpu.memory_space<vmem>> -> memref<1x128x128xf32, #tpu.memory_space<vmem>>
      %dma_start3A_411 = tpu.memref_squeeze %dma_start3A_410 : memref<1x128x128xf32, #tpu.memory_space<vmem>> -> memref<128x128xf32, #tpu.memory_space<vmem>>
      %dma_start3A_412 = tpu.memref_slice %arg5[%add3A_405] : memref<25600xi32, #tpu.memory_space<vmem>> -> memref<128xi32, #tpu.memory_space<vmem>>
      %dma_start3A_413 = arith.constant 0 : i32
      %dma_start3A_414 = arith.constant 0 : i32
      %dma_start3A_415 = tpu.memref_slice %arg3[%dma_start3A_413, %dma_start3A_414] : memref<100000x128xf32, #tpu.memory_space<hbm>> -> memref<100000x128xf32, #tpu.memory_space<hbm>>
      %dma_start3A_416 = tpu.memref_slice %arg7[%dma_start3A_407] : memref<5x!tpu.dma_semaphore, #tpu.memory_space<semaphore_mem>> -> memref<1x!tpu.dma_semaphore, #tpu.memory_space<semaphore_mem>>
      %dma_start3A_417 = tpu.memref_squeeze %dma_start3A_416 : memref<1x!tpu.dma_semaphore, #tpu.memory_space<semaphore_mem>> -> memref<!tpu.dma_semaphore, #tpu.memory_space<semaphore_mem>>
      tpu.enqueue_indirect_dma source(%dma_start3A_415 : memref<100000x128xf32, #tpu.memory_space<hbm>>) target(%dma_start3A_411 : memref<128x128xf32, #tpu.memory_space<vmem>>) offsets(%dma_start3A_412 : memref<128xi32, #tpu.memory_space<vmem>>) semaphore(%dma_start3A_417 : memref<!tpu.dma_semaphore, #tpu.memory_space<semaphore_mem>>)
      %mul3A_418 = arith.constant 128 : i32
      %mul3A_419 = arith.muli %add3A_383, %mul3A_418 : i32
      %add3A_420 = arith.constant 0 : i32
      %add3A_421 = arith.addi %mul3A_419, %add3A_420 : i32
      %dma_wait3A_422 = arith.constant 4 : i32
      %dma_wait3A_423 = arith.constant 4 : i32
      %dma_wait3A_424 = arith.constant 0 : i32
      %dma_wait3A_425 = arith.constant 0 : i32
      %dma_wait3A_426 = tpu.memref_slice %arg6[%dma_wait3A_422, %dma_wait3A_424, %dma_wait3A_425] : memref<5x128x128xf32, #tpu.memory_space<vmem>> -> memref<1x128x128xf32, #tpu.memory_space<vmem>>
      %dma_wait3A_427 = tpu.memref_squeeze %dma_wait3A_426 : memref<1x128x128xf32, #tpu.memory_space<vmem>> -> memref<128x128xf32, #tpu.memory_space<vmem>>
      %dma_wait3A_428 = tpu.memref_slice %arg5[%add3A_421] : memref<25600xi32, #tpu.memory_space<vmem>> -> memref<128xi32, #tpu.memory_space<vmem>>
      %dma_wait3A_429 = arith.constant 0 : i32
      %dma_wait3A_430 = arith.constant 0 : i32
      %dma_wait3A_431 = tpu.memref_slice %arg3[%dma_wait3A_429, %dma_wait3A_430] : memref<100000x128xf32, #tpu.memory_space<hbm>> -> memref<100000x128xf32, #tpu.memory_space<hbm>>
      %dma_wait3A_432 = tpu.memref_slice %arg7[%dma_wait3A_423] : memref<5x!tpu.dma_semaphore, #tpu.memory_space<semaphore_mem>> -> memref<1x!tpu.dma_semaphore, #tpu.memory_space<semaphore_mem>>
      %dma_wait3A_433 = tpu.memref_squeeze %dma_wait3A_432 : memref<1x!tpu.dma_semaphore, #tpu.memory_space<semaphore_mem>> -> memref<!tpu.dma_semaphore, #tpu.memory_space<semaphore_mem>>
      tpu.wait_indirect_dma semaphore(%dma_wait3A_433 : memref<!tpu.dma_semaphore, #tpu.memory_space<semaphore_mem>>) src(%dma_wait3A_431 : memref<100000x128xf32, #tpu.memory_space<hbm>>) dst(%dma_wait3A_427 : memref<128x128xf32, #tpu.memory_space<vmem>>)
      %mul3A_434 = arith.constant 128 : i32
      %mul3A_435 = arith.muli %add3A_383, %mul3A_434 : i32
      %add3A_436 = arith.addi %mul3A_2, %mul3A_435 : i32
      %dma_start3A_437 = arith.constant 4 : i32
      %dma_start3A_438 = arith.constant 4 : i32
      %dma_start3A_439 = arith.constant 0 : i32
      %dma_start3A_440 = arith.constant 0 : i32
      %dma_start3A_441 = tpu.memref_slice %arg6[%dma_start3A_437, %dma_start3A_439, %dma_start3A_440] : memref<5x128x128xf32, #tpu.memory_space<vmem>> -> memref<1x128x128xf32, #tpu.memory_space<vmem>>
      %dma_start3A_442 = tpu.memref_squeeze %dma_start3A_441 : memref<1x128x128xf32, #tpu.memory_space<vmem>> -> memref<128x128xf32, #tpu.memory_space<vmem>>
      %dma_start3A_443 = arith.constant 0 : i32
      %dma_start3A_444 = tpu.memref_slice %arg4[%add3A_436, %dma_start3A_443] : memref<819200x128xf32, #tpu.memory_space<hbm>> -> memref<128x128xf32, #tpu.memory_space<hbm>>
      %dma_start3A_445 = tpu.memref_slice %arg8[%dma_start3A_438] : memref<5x!tpu.dma_semaphore, #tpu.memory_space<semaphore_mem>> -> memref<1x!tpu.dma_semaphore, #tpu.memory_space<semaphore_mem>>
      %dma_start3A_446 = tpu.memref_squeeze %dma_start3A_445 : memref<1x!tpu.dma_semaphore, #tpu.memory_space<semaphore_mem>> -> memref<!tpu.dma_semaphore, #tpu.memory_space<semaphore_mem>>
      %dma_start3A_447 = arith.constant 0 : i32
      %dma_start3A_448 = tpu.memref_slice %arg4[%add3A_436, %dma_start3A_447] : memref<819200x128xf32, #tpu.memory_space<hbm>> -> memref<128x128xf32, #tpu.memory_space<hbm>>
      %dma_start3A_449 = arith.constant 0 : i32
      %dma_start3A_450 = arith.constant 0 : i32
      %dma_start3A_451 = tpu.memref_slice %arg6[%dma_start3A_437, %dma_start3A_449, %dma_start3A_450] : memref<5x128x128xf32, #tpu.memory_space<vmem>> -> memref<1x128x128xf32, #tpu.memory_space<vmem>>
      %dma_start3A_452 = tpu.memref_squeeze %dma_start3A_451 : memref<1x128x128xf32, #tpu.memory_space<vmem>> -> memref<128x128xf32, #tpu.memory_space<vmem>>
      tpu.enqueue_dma source(%dma_start3A_452 : memref<128x128xf32, #tpu.memory_space<vmem>>) target(%dma_start3A_448 : memref<128x128xf32, #tpu.memory_space<hbm>>) target_semaphore(%dma_start3A_446 : memref<!tpu.dma_semaphore, #tpu.memory_space<semaphore_mem>>)
      %add3A_453 = arith.constant 2 : i32
      %add3A_454 = arith.addi %add3A_310, %add3A_453 : i32
      %dma_wait3A_455 = arith.constant 2 : i32
      %dma_wait3A_456 = arith.constant 2 : i32
      %dma_wait3A_457 = arith.constant 0 : i32
      %dma_wait3A_458 = arith.constant 0 : i32
      %dma_wait3A_459 = tpu.memref_slice %arg6[%dma_wait3A_455, %dma_wait3A_457, %dma_wait3A_458] : memref<5x128x128xf32, #tpu.memory_space<vmem>> -> memref<1x128x128xf32, #tpu.memory_space<vmem>>
      %dma_wait3A_460 = tpu.memref_squeeze %dma_wait3A_459 : memref<1x128x128xf32, #tpu.memory_space<vmem>> -> memref<128x128xf32, #tpu.memory_space<vmem>>
      %dma_wait3A_461 = arith.constant 0 : i32
      %dma_wait3A_462 = tpu.memref_slice %arg4[%mul3A_2, %dma_wait3A_461] : memref<819200x128xf32, #tpu.memory_space<hbm>> -> memref<128x128xf32, #tpu.memory_space<hbm>>
      %dma_wait3A_463 = tpu.memref_slice %arg8[%dma_wait3A_456] : memref<5x!tpu.dma_semaphore, #tpu.memory_space<semaphore_mem>> -> memref<1x!tpu.dma_semaphore, #tpu.memory_space<semaphore_mem>>
      %dma_wait3A_464 = tpu.memref_squeeze %dma_wait3A_463 : memref<1x!tpu.dma_semaphore, #tpu.memory_space<semaphore_mem>> -> memref<!tpu.dma_semaphore, #tpu.memory_space<semaphore_mem>>
      %dma_wait3A_465 = arith.constant 0 : i32
      %dma_wait3A_466 = tpu.memref_slice %arg4[%mul3A_2, %dma_wait3A_465] : memref<819200x128xf32, #tpu.memory_space<hbm>> -> memref<128x128xf32, #tpu.memory_space<hbm>>
      %dma_wait3A_467 = arith.constant 0 : i32
      %dma_wait3A_468 = arith.constant 0 : i32
      %dma_wait3A_469 = tpu.memref_slice %arg6[%dma_wait3A_455, %dma_wait3A_467, %dma_wait3A_468] : memref<5x128x128xf32, #tpu.memory_space<vmem>> -> memref<1x128x128xf32, #tpu.memory_space<vmem>>
      %dma_wait3A_470 = tpu.memref_squeeze %dma_wait3A_469 : memref<1x128x128xf32, #tpu.memory_space<vmem>> -> memref<128x128xf32, #tpu.memory_space<vmem>>
      tpu.wait_dma2 semaphore(%dma_wait3A_464 : memref<!tpu.dma_semaphore, #tpu.memory_space<semaphore_mem>>) src(%dma_wait3A_470 : memref<128x128xf32, #tpu.memory_space<vmem>>) dst(%dma_wait3A_466 : memref<128x128xf32, #tpu.memory_space<hbm>>)
      %add3A_471 = arith.constant 2 : i32
      %add3A_472 = arith.addi %add3A_454, %add3A_471 : i32
      %mul3A_473 = arith.constant 128 : i32
      %mul3A_474 = arith.muli %add3A_472, %mul3A_473 : i32
      %add3A_475 = arith.constant 0 : i32
      %add3A_476 = arith.addi %mul3A_474, %add3A_475 : i32
      %dma_start3A_477 = arith.constant 2 : i32
      %dma_start3A_478 = arith.constant 2 : i32
      %dma_start3A_479 = arith.constant 0 : i32
      %dma_start3A_480 = arith.constant 0 : i32
      %dma_start3A_481 = tpu.memref_slice %arg6[%dma_start3A_477, %dma_start3A_479, %dma_start3A_480] : memref<5x128x128xf32, #tpu.memory_space<vmem>> -> memref<1x128x128xf32, #tpu.memory_space<vmem>>
      %dma_start3A_482 = tpu.memref_squeeze %dma_start3A_481 : memref<1x128x128xf32, #tpu.memory_space<vmem>> -> memref<128x128xf32, #tpu.memory_space<vmem>>
      %dma_start3A_483 = tpu.memref_slice %arg5[%add3A_476] : memref<25600xi32, #tpu.memory_space<vmem>> -> memref<128xi32, #tpu.memory_space<vmem>>
      %dma_start3A_484 = arith.constant 0 : i32
      %dma_start3A_485 = arith.constant 0 : i32
      %dma_start3A_486 = tpu.memref_slice %arg3[%dma_start3A_484, %dma_start3A_485] : memref<100000x128xf32, #tpu.memory_space<hbm>> -> memref<100000x128xf32, #tpu.memory_space<hbm>>
      %dma_start3A_487 = tpu.memref_slice %arg7[%dma_start3A_478] : memref<5x!tpu.dma_semaphore, #tpu.memory_space<semaphore_mem>> -> memref<1x!tpu.dma_semaphore, #tpu.memory_space<semaphore_mem>>
      %dma_start3A_488 = tpu.memref_squeeze %dma_start3A_487 : memref<1x!tpu.dma_semaphore, #tpu.memory_space<semaphore_mem>> -> memref<!tpu.dma_semaphore, #tpu.memory_space<semaphore_mem>>
      tpu.enqueue_indirect_dma source(%dma_start3A_486 : memref<100000x128xf32, #tpu.memory_space<hbm>>) target(%dma_start3A_482 : memref<128x128xf32, #tpu.memory_space<vmem>>) offsets(%dma_start3A_483 : memref<128xi32, #tpu.memory_space<vmem>>) semaphore(%dma_start3A_488 : memref<!tpu.dma_semaphore, #tpu.memory_space<semaphore_mem>>)
      %mul3A_489 = arith.constant 128 : i32
      %mul3A_490 = arith.muli %add3A_454, %mul3A_489 : i32
      %add3A_491 = arith.constant 0 : i32
      %add3A_492 = arith.addi %mul3A_490, %add3A_491 : i32
      %dma_wait3A_493 = arith.constant 0 : i32
      %dma_wait3A_494 = arith.constant 0 : i32
      %dma_wait3A_495 = arith.constant 0 : i32
      %dma_wait3A_496 = arith.constant 0 : i32
      %dma_wait3A_497 = tpu.memref_slice %arg6[%dma_wait3A_493, %dma_wait3A_495, %dma_wait3A_496] : memref<5x128x128xf32, #tpu.memory_space<vmem>> -> memref<1x128x128xf32, #tpu.memory_space<vmem>>
      %dma_wait3A_498 = tpu.memref_squeeze %dma_wait3A_497 : memref<1x128x128xf32, #tpu.memory_space<vmem>> -> memref<128x128xf32, #tpu.memory_space<vmem>>
      %dma_wait3A_499 = tpu.memref_slice %arg5[%add3A_492] : memref<25600xi32, #tpu.memory_space<vmem>> -> memref<128xi32, #tpu.memory_space<vmem>>
      %dma_wait3A_500 = arith.constant 0 : i32
      %dma_wait3A_501 = arith.constant 0 : i32
      %dma_wait3A_502 = tpu.memref_slice %arg3[%dma_wait3A_500, %dma_wait3A_501] : memref<100000x128xf32, #tpu.memory_space<hbm>> -> memref<100000x128xf32, #tpu.memory_space<hbm>>
      %dma_wait3A_503 = tpu.memref_slice %arg7[%dma_wait3A_494] : memref<5x!tpu.dma_semaphore, #tpu.memory_space<semaphore_mem>> -> memref<1x!tpu.dma_semaphore, #tpu.memory_space<semaphore_mem>>
      %dma_wait3A_504 = tpu.memref_squeeze %dma_wait3A_503 : memref<1x!tpu.dma_semaphore, #tpu.memory_space<semaphore_mem>> -> memref<!tpu.dma_semaphore, #tpu.memory_space<semaphore_mem>>
      tpu.wait_indirect_dma semaphore(%dma_wait3A_504 : memref<!tpu.dma_semaphore, #tpu.memory_space<semaphore_mem>>) src(%dma_wait3A_502 : memref<100000x128xf32, #tpu.memory_space<hbm>>) dst(%dma_wait3A_498 : memref<128x128xf32, #tpu.memory_space<vmem>>)
      %mul3A_505 = arith.constant 128 : i32
      %mul3A_506 = arith.muli %add3A_454, %mul3A_505 : i32
      %add3A_507 = arith.addi %mul3A_2, %mul3A_506 : i32
      %dma_start3A_508 = arith.constant 0 : i32
      %dma_start3A_509 = arith.constant 0 : i32
      %dma_start3A_510 = arith.constant 0 : i32
      %dma_start3A_511 = arith.constant 0 : i32
      %dma_start3A_512 = tpu.memref_slice %arg6[%dma_start3A_508, %dma_start3A_510, %dma_start3A_511] : memref<5x128x128xf32, #tpu.memory_space<vmem>> -> memref<1x128x128xf32, #tpu.memory_space<vmem>>
      %dma_start3A_513 = tpu.memref_squeeze %dma_start3A_512 : memref<1x128x128xf32, #tpu.memory_space<vmem>> -> memref<128x128xf32, #tpu.memory_space<vmem>>
      %dma_start3A_514 = arith.constant 0 : i32
      %dma_start3A_515 = tpu.memref_slice %arg4[%add3A_507, %dma_start3A_514] : memref<819200x128xf32, #tpu.memory_space<hbm>> -> memref<128x128xf32, #tpu.memory_space<hbm>>
      %dma_start3A_516 = tpu.memref_slice %arg8[%dma_start3A_509] : memref<5x!tpu.dma_semaphore, #tpu.memory_space<semaphore_mem>> -> memref<1x!tpu.dma_semaphore, #tpu.memory_space<semaphore_mem>>
      %dma_start3A_517 = tpu.memref_squeeze %dma_start3A_516 : memref<1x!tpu.dma_semaphore, #tpu.memory_space<semaphore_mem>> -> memref<!tpu.dma_semaphore, #tpu.memory_space<semaphore_mem>>
      %dma_start3A_518 = arith.constant 0 : i32
      %dma_start3A_519 = tpu.memref_slice %arg4[%add3A_507, %dma_start3A_518] : memref<819200x128xf32, #tpu.memory_space<hbm>> -> memref<128x128xf32, #tpu.memory_space<hbm>>
      %dma_start3A_520 = arith.constant 0 : i32
      %dma_start3A_521 = arith.constant 0 : i32
      %dma_start3A_522 = tpu.memref_slice %arg6[%dma_start3A_508, %dma_start3A_520, %dma_start3A_521] : memref<5x128x128xf32, #tpu.memory_space<vmem>> -> memref<1x128x128xf32, #tpu.memory_space<vmem>>
      %dma_start3A_523 = tpu.memref_squeeze %dma_start3A_522 : memref<1x128x128xf32, #tpu.memory_space<vmem>> -> memref<128x128xf32, #tpu.memory_space<vmem>>
      tpu.enqueue_dma source(%dma_start3A_523 : memref<128x128xf32, #tpu.memory_space<vmem>>) target(%dma_start3A_519 : memref<128x128xf32, #tpu.memory_space<hbm>>) target_semaphore(%dma_start3A_517 : memref<!tpu.dma_semaphore, #tpu.memory_space<semaphore_mem>>)
      %add3A_524 = arith.constant 3 : i32
      %add3A_525 = arith.addi %add3A_310, %add3A_524 : i32
      %dma_wait3A_526 = arith.constant 3 : i32
      %dma_wait3A_527 = arith.constant 3 : i32
      %dma_wait3A_528 = arith.constant 0 : i32
      %dma_wait3A_529 = arith.constant 0 : i32
      %dma_wait3A_530 = tpu.memref_slice %arg6[%dma_wait3A_526, %dma_wait3A_528, %dma_wait3A_529] : memref<5x128x128xf32, #tpu.memory_space<vmem>> -> memref<1x128x128xf32, #tpu.memory_space<vmem>>
      %dma_wait3A_531 = tpu.memref_squeeze %dma_wait3A_530 : memref<1x128x128xf32, #tpu.memory_space<vmem>> -> memref<128x128xf32, #tpu.memory_space<vmem>>
      %dma_wait3A_532 = arith.constant 0 : i32
      %dma_wait3A_533 = tpu.memref_slice %arg4[%mul3A_2, %dma_wait3A_532] : memref<819200x128xf32, #tpu.memory_space<hbm>> -> memref<128x128xf32, #tpu.memory_space<hbm>>
      %dma_wait3A_534 = tpu.memref_slice %arg8[%dma_wait3A_527] : memref<5x!tpu.dma_semaphore, #tpu.memory_space<semaphore_mem>> -> memref<1x!tpu.dma_semaphore, #tpu.memory_space<semaphore_mem>>
      %dma_wait3A_535 = tpu.memref_squeeze %dma_wait3A_534 : memref<1x!tpu.dma_semaphore, #tpu.memory_space<semaphore_mem>> -> memref<!tpu.dma_semaphore, #tpu.memory_space<semaphore_mem>>
      %dma_wait3A_536 = arith.constant 0 : i32
      %dma_wait3A_537 = tpu.memref_slice %arg4[%mul3A_2, %dma_wait3A_536] : memref<819200x128xf32, #tpu.memory_space<hbm>> -> memref<128x128xf32, #tpu.memory_space<hbm>>
      %dma_wait3A_538 = arith.constant 0 : i32
      %dma_wait3A_539 = arith.constant 0 : i32
      %dma_wait3A_540 = tpu.memref_slice %arg6[%dma_wait3A_526, %dma_wait3A_538, %dma_wait3A_539] : memref<5x128x128xf32, #tpu.memory_space<vmem>> -> memref<1x128x128xf32, #tpu.memory_space<vmem>>
      %dma_wait3A_541 = tpu.memref_squeeze %dma_wait3A_540 : memref<1x128x128xf32, #tpu.memory_space<vmem>> -> memref<128x128xf32, #tpu.memory_space<vmem>>
      tpu.wait_dma2 semaphore(%dma_wait3A_535 : memref<!tpu.dma_semaphore, #tpu.memory_space<semaphore_mem>>) src(%dma_wait3A_541 : memref<128x128xf32, #tpu.memory_space<vmem>>) dst(%dma_wait3A_537 : memref<128x128xf32, #tpu.memory_space<hbm>>)
      %add3A_542 = arith.constant 2 : i32
      %add3A_543 = arith.addi %add3A_525, %add3A_542 : i32
      %mul3A_544 = arith.constant 128 : i32
      %mul3A_545 = arith.muli %add3A_543, %mul3A_544 : i32
      %add3A_546 = arith.constant 0 : i32
      %add3A_547 = arith.addi %mul3A_545, %add3A_546 : i32
      %dma_start3A_548 = arith.constant 3 : i32
      %dma_start3A_549 = arith.constant 3 : i32
      %dma_start3A_550 = arith.constant 0 : i32
      %dma_start3A_551 = arith.constant 0 : i32
      %dma_start3A_552 = tpu.memref_slice %arg6[%dma_start3A_548, %dma_start3A_550, %dma_start3A_551] : memref<5x128x128xf32, #tpu.memory_space<vmem>> -> memref<1x128x128xf32, #tpu.memory_space<vmem>>
      %dma_start3A_553 = tpu.memref_squeeze %dma_start3A_552 : memref<1x128x128xf32, #tpu.memory_space<vmem>> -> memref<128x128xf32, #tpu.memory_space<vmem>>
      %dma_start3A_554 = tpu.memref_slice %arg5[%add3A_547] : memref<25600xi32, #tpu.memory_space<vmem>> -> memref<128xi32, #tpu.memory_space<vmem>>
      %dma_start3A_555 = arith.constant 0 : i32
      %dma_start3A_556 = arith.constant 0 : i32
      %dma_start3A_557 = tpu.memref_slice %arg3[%dma_start3A_555, %dma_start3A_556] : memref<100000x128xf32, #tpu.memory_space<hbm>> -> memref<100000x128xf32, #tpu.memory_space<hbm>>
      %dma_start3A_558 = tpu.memref_slice %arg7[%dma_start3A_549] : memref<5x!tpu.dma_semaphore, #tpu.memory_space<semaphore_mem>> -> memref<1x!tpu.dma_semaphore, #tpu.memory_space<semaphore_mem>>
      %dma_start3A_559 = tpu.memref_squeeze %dma_start3A_558 : memref<1x!tpu.dma_semaphore, #tpu.memory_space<semaphore_mem>> -> memref<!tpu.dma_semaphore, #tpu.memory_space<semaphore_mem>>
      tpu.enqueue_indirect_dma source(%dma_start3A_557 : memref<100000x128xf32, #tpu.memory_space<hbm>>) target(%dma_start3A_553 : memref<128x128xf32, #tpu.memory_space<vmem>>) offsets(%dma_start3A_554 : memref<128xi32, #tpu.memory_space<vmem>>) semaphore(%dma_start3A_559 : memref<!tpu.dma_semaphore, #tpu.memory_space<semaphore_mem>>)
      %mul3A_560 = arith.constant 128 : i32
      %mul3A_561 = arith.muli %add3A_525, %mul3A_560 : i32
      %add3A_562 = arith.constant 0 : i32
      %add3A_563 = arith.addi %mul3A_561, %add3A_562 : i32
      %dma_wait3A_564 = arith.constant 1 : i32
      %dma_wait3A_565 = arith.constant 1 : i32
      %dma_wait3A_566 = arith.constant 0 : i32
      %dma_wait3A_567 = arith.constant 0 : i32
      %dma_wait3A_568 = tpu.memref_slice %arg6[%dma_wait3A_564, %dma_wait3A_566, %dma_wait3A_567] : memref<5x128x128xf32, #tpu.memory_space<vmem>> -> memref<1x128x128xf32, #tpu.memory_space<vmem>>
      %dma_wait3A_569 = tpu.memref_squeeze %dma_wait3A_568 : memref<1x128x128xf32, #tpu.memory_space<vmem>> -> memref<128x128xf32, #tpu.memory_space<vmem>>
      %dma_wait3A_570 = tpu.memref_slice %arg5[%add3A_563] : memref<25600xi32, #tpu.memory_space<vmem>> -> memref<128xi32, #tpu.memory_space<vmem>>
      %dma_wait3A_571 = arith.constant 0 : i32
      %dma_wait3A_572 = arith.constant 0 : i32
      %dma_wait3A_573 = tpu.memref_slice %arg3[%dma_wait3A_571, %dma_wait3A_572] : memref<100000x128xf32, #tpu.memory_space<hbm>> -> memref<100000x128xf32, #tpu.memory_space<hbm>>
      %dma_wait3A_574 = tpu.memref_slice %arg7[%dma_wait3A_565] : memref<5x!tpu.dma_semaphore, #tpu.memory_space<semaphore_mem>> -> memref<1x!tpu.dma_semaphore, #tpu.memory_space<semaphore_mem>>
      %dma_wait3A_575 = tpu.memref_squeeze %dma_wait3A_574 : memref<1x!tpu.dma_semaphore, #tpu.memory_space<semaphore_mem>> -> memref<!tpu.dma_semaphore, #tpu.memory_space<semaphore_mem>>
      tpu.wait_indirect_dma semaphore(%dma_wait3A_575 : memref<!tpu.dma_semaphore, #tpu.memory_space<semaphore_mem>>) src(%dma_wait3A_573 : memref<100000x128xf32, #tpu.memory_space<hbm>>) dst(%dma_wait3A_569 : memref<128x128xf32, #tpu.memory_space<vmem>>)
      %mul3A_576 = arith.constant 128 : i32
      %mul3A_577 = arith.muli %add3A_525, %mul3A_576 : i32
      %add3A_578 = arith.addi %mul3A_2, %mul3A_577 : i32
      %dma_start3A_579 = arith.constant 1 : i32
      %dma_start3A_580 = arith.constant 1 : i32
      %dma_start3A_581 = arith.constant 0 : i32
      %dma_start3A_582 = arith.constant 0 : i32
      %dma_start3A_583 = tpu.memref_slice %arg6[%dma_start3A_579, %dma_start3A_581, %dma_start3A_582] : memref<5x128x128xf32, #tpu.memory_space<vmem>> -> memref<1x128x128xf32, #tpu.memory_space<vmem>>
      %dma_start3A_584 = tpu.memref_squeeze %dma_start3A_583 : memref<1x128x128xf32, #tpu.memory_space<vmem>> -> memref<128x128xf32, #tpu.memory_space<vmem>>
      %dma_start3A_585 = arith.constant 0 : i32
      %dma_start3A_586 = tpu.memref_slice %arg4[%add3A_578, %dma_start3A_585] : memref<819200x128xf32, #tpu.memory_space<hbm>> -> memref<128x128xf32, #tpu.memory_space<hbm>>
      %dma_start3A_587 = tpu.memref_slice %arg8[%dma_start3A_580] : memref<5x!tpu.dma_semaphore, #tpu.memory_space<semaphore_mem>> -> memref<1x!tpu.dma_semaphore, #tpu.memory_space<semaphore_mem>>
      %dma_start3A_588 = tpu.memref_squeeze %dma_start3A_587 : memref<1x!tpu.dma_semaphore, #tpu.memory_space<semaphore_mem>> -> memref<!tpu.dma_semaphore, #tpu.memory_space<semaphore_mem>>
      %dma_start3A_589 = arith.constant 0 : i32
      %dma_start3A_590 = tpu.memref_slice %arg4[%add3A_578, %dma_start3A_589] : memref<819200x128xf32, #tpu.memory_space<hbm>> -> memref<128x128xf32, #tpu.memory_space<hbm>>
      %dma_start3A_591 = arith.constant 0 : i32
      %dma_start3A_592 = arith.constant 0 : i32
      %dma_start3A_593 = tpu.memref_slice %arg6[%dma_start3A_579, %dma_start3A_591, %dma_start3A_592] : memref<5x128x128xf32, #tpu.memory_space<vmem>> -> memref<1x128x128xf32, #tpu.memory_space<vmem>>
      %dma_start3A_594 = tpu.memref_squeeze %dma_start3A_593 : memref<1x128x128xf32, #tpu.memory_space<vmem>> -> memref<128x128xf32, #tpu.memory_space<vmem>>
      tpu.enqueue_dma source(%dma_start3A_594 : memref<128x128xf32, #tpu.memory_space<vmem>>) target(%dma_start3A_590 : memref<128x128xf32, #tpu.memory_space<hbm>>) target_semaphore(%dma_start3A_588 : memref<!tpu.dma_semaphore, #tpu.memory_space<semaphore_mem>>)
      %add3A_595 = arith.constant 4 : i32
      %add3A_596 = arith.addi %add3A_310, %add3A_595 : i32
      %dma_wait3A_597 = arith.constant 4 : i32
      %dma_wait3A_598 = arith.constant 4 : i32
      %dma_wait3A_599 = arith.constant 0 : i32
      %dma_wait3A_600 = arith.constant 0 : i32
      %dma_wait3A_601 = tpu.memref_slice %arg6[%dma_wait3A_597, %dma_wait3A_599, %dma_wait3A_600] : memref<5x128x128xf32, #tpu.memory_space<vmem>> -> memref<1x128x128xf32, #tpu.memory_space<vmem>>
      %dma_wait3A_602 = tpu.memref_squeeze %dma_wait3A_601 : memref<1x128x128xf32, #tpu.memory_space<vmem>> -> memref<128x128xf32, #tpu.memory_space<vmem>>
      %dma_wait3A_603 = arith.constant 0 : i32
      %dma_wait3A_604 = tpu.memref_slice %arg4[%mul3A_2, %dma_wait3A_603] : memref<819200x128xf32, #tpu.memory_space<hbm>> -> memref<128x128xf32, #tpu.memory_space<hbm>>
      %dma_wait3A_605 = tpu.memref_slice %arg8[%dma_wait3A_598] : memref<5x!tpu.dma_semaphore, #tpu.memory_space<semaphore_mem>> -> memref<1x!tpu.dma_semaphore, #tpu.memory_space<semaphore_mem>>
      %dma_wait3A_606 = tpu.memref_squeeze %dma_wait3A_605 : memref<1x!tpu.dma_semaphore, #tpu.memory_space<semaphore_mem>> -> memref<!tpu.dma_semaphore, #tpu.memory_space<semaphore_mem>>
      %dma_wait3A_607 = arith.constant 0 : i32
      %dma_wait3A_608 = tpu.memref_slice %arg4[%mul3A_2, %dma_wait3A_607] : memref<819200x128xf32, #tpu.memory_space<hbm>> -> memref<128x128xf32, #tpu.memory_space<hbm>>
      %dma_wait3A_609 = arith.constant 0 : i32
      %dma_wait3A_610 = arith.constant 0 : i32
      %dma_wait3A_611 = tpu.memref_slice %arg6[%dma_wait3A_597, %dma_wait3A_609, %dma_wait3A_610] : memref<5x128x128xf32, #tpu.memory_space<vmem>> -> memref<1x128x128xf32, #tpu.memory_space<vmem>>
      %dma_wait3A_612 = tpu.memref_squeeze %dma_wait3A_611 : memref<1x128x128xf32, #tpu.memory_space<vmem>> -> memref<128x128xf32, #tpu.memory_space<vmem>>
      tpu.wait_dma2 semaphore(%dma_wait3A_606 : memref<!tpu.dma_semaphore, #tpu.memory_space<semaphore_mem>>) src(%dma_wait3A_612 : memref<128x128xf32, #tpu.memory_space<vmem>>) dst(%dma_wait3A_608 : memref<128x128xf32, #tpu.memory_space<hbm>>)
      %add3A_613 = arith.constant 2 : i32
      %add3A_614 = arith.addi %add3A_596, %add3A_613 : i32
      %mul3A_615 = arith.constant 128 : i32
      %mul3A_616 = arith.muli %add3A_614, %mul3A_615 : i32
      %add3A_617 = arith.constant 0 : i32
      %add3A_618 = arith.addi %mul3A_616, %add3A_617 : i32
      %dma_start3A_619 = arith.constant 4 : i32
      %dma_start3A_620 = arith.constant 4 : i32
      %dma_start3A_621 = arith.constant 0 : i32
      %dma_start3A_622 = arith.constant 0 : i32
      %dma_start3A_623 = tpu.memref_slice %arg6[%dma_start3A_619, %dma_start3A_621, %dma_start3A_622] : memref<5x128x128xf32, #tpu.memory_space<vmem>> -> memref<1x128x128xf32, #tpu.memory_space<vmem>>
      %dma_start3A_624 = tpu.memref_squeeze %dma_start3A_623 : memref<1x128x128xf32, #tpu.memory_space<vmem>> -> memref<128x128xf32, #tpu.memory_space<vmem>>
      %dma_start3A_625 = tpu.memref_slice %arg5[%add3A_618] : memref<25600xi32, #tpu.memory_space<vmem>> -> memref<128xi32, #tpu.memory_space<vmem>>
      %dma_start3A_626 = arith.constant 0 : i32
      %dma_start3A_627 = arith.constant 0 : i32
      %dma_start3A_628 = tpu.memref_slice %arg3[%dma_start3A_626, %dma_start3A_627] : memref<100000x128xf32, #tpu.memory_space<hbm>> -> memref<100000x128xf32, #tpu.memory_space<hbm>>
      %dma_start3A_629 = tpu.memref_slice %arg7[%dma_start3A_620] : memref<5x!tpu.dma_semaphore, #tpu.memory_space<semaphore_mem>> -> memref<1x!tpu.dma_semaphore, #tpu.memory_space<semaphore_mem>>
      %dma_start3A_630 = tpu.memref_squeeze %dma_start3A_629 : memref<1x!tpu.dma_semaphore, #tpu.memory_space<semaphore_mem>> -> memref<!tpu.dma_semaphore, #tpu.memory_space<semaphore_mem>>
      tpu.enqueue_indirect_dma source(%dma_start3A_628 : memref<100000x128xf32, #tpu.memory_space<hbm>>) target(%dma_start3A_624 : memref<128x128xf32, #tpu.memory_space<vmem>>) offsets(%dma_start3A_625 : memref<128xi32, #tpu.memory_space<vmem>>) semaphore(%dma_start3A_630 : memref<!tpu.dma_semaphore, #tpu.memory_space<semaphore_mem>>)
      %mul3A_631 = arith.constant 128 : i32
      %mul3A_632 = arith.muli %add3A_596, %mul3A_631 : i32
      %add3A_633 = arith.constant 0 : i32
      %add3A_634 = arith.addi %mul3A_632, %add3A_633 : i32
      %dma_wait3A_635 = arith.constant 2 : i32
      %dma_wait3A_636 = arith.constant 2 : i32
      %dma_wait3A_637 = arith.constant 0 : i32
      %dma_wait3A_638 = arith.constant 0 : i32
      %dma_wait3A_639 = tpu.memref_slice %arg6[%dma_wait3A_635, %dma_wait3A_637, %dma_wait3A_638] : memref<5x128x128xf32, #tpu.memory_space<vmem>> -> memref<1x128x128xf32, #tpu.memory_space<vmem>>
      %dma_wait3A_640 = tpu.memref_squeeze %dma_wait3A_639 : memref<1x128x128xf32, #tpu.memory_space<vmem>> -> memref<128x128xf32, #tpu.memory_space<vmem>>
      %dma_wait3A_641 = tpu.memref_slice %arg5[%add3A_634] : memref<25600xi32, #tpu.memory_space<vmem>> -> memref<128xi32, #tpu.memory_space<vmem>>
      %dma_wait3A_642 = arith.constant 0 : i32
      %dma_wait3A_643 = arith.constant 0 : i32
      %dma_wait3A_644 = tpu.memref_slice %arg3[%dma_wait3A_642, %dma_wait3A_643] : memref<100000x128xf32, #tpu.memory_space<hbm>> -> memref<100000x128xf32, #tpu.memory_space<hbm>>
      %dma_wait3A_645 = tpu.memref_slice %arg7[%dma_wait3A_636] : memref<5x!tpu.dma_semaphore, #tpu.memory_space<semaphore_mem>> -> memref<1x!tpu.dma_semaphore, #tpu.memory_space<semaphore_mem>>
      %dma_wait3A_646 = tpu.memref_squeeze %dma_wait3A_645 : memref<1x!tpu.dma_semaphore, #tpu.memory_space<semaphore_mem>> -> memref<!tpu.dma_semaphore, #tpu.memory_space<semaphore_mem>>
      tpu.wait_indirect_dma semaphore(%dma_wait3A_646 : memref<!tpu.dma_semaphore, #tpu.memory_space<semaphore_mem>>) src(%dma_wait3A_644 : memref<100000x128xf32, #tpu.memory_space<hbm>>) dst(%dma_wait3A_640 : memref<128x128xf32, #tpu.memory_space<vmem>>)
      %mul3A_647 = arith.constant 128 : i32
      %mul3A_648 = arith.muli %add3A_596, %mul3A_647 : i32
      %add3A_649 = arith.addi %mul3A_2, %mul3A_648 : i32
      %dma_start3A_650 = arith.constant 2 : i32
      %dma_start3A_651 = arith.constant 2 : i32
      %dma_start3A_652 = arith.constant 0 : i32
      %dma_start3A_653 = arith.constant 0 : i32
      %dma_start3A_654 = tpu.memref_slice %arg6[%dma_start3A_650, %dma_start3A_652, %dma_start3A_653] : memref<5x128x128xf32, #tpu.memory_space<vmem>> -> memref<1x128x128xf32, #tpu.memory_space<vmem>>
      %dma_start3A_655 = tpu.memref_squeeze %dma_start3A_654 : memref<1x128x128xf32, #tpu.memory_space<vmem>> -> memref<128x128xf32, #tpu.memory_space<vmem>>
      %dma_start3A_656 = arith.constant 0 : i32
      %dma_start3A_657 = tpu.memref_slice %arg4[%add3A_649, %dma_start3A_656] : memref<819200x128xf32, #tpu.memory_space<hbm>> -> memref<128x128xf32, #tpu.memory_space<hbm>>
      %dma_start3A_658 = tpu.memref_slice %arg8[%dma_start3A_651] : memref<5x!tpu.dma_semaphore, #tpu.memory_space<semaphore_mem>> -> memref<1x!tpu.dma_semaphore, #tpu.memory_space<semaphore_mem>>
      %dma_start3A_659 = tpu.memref_squeeze %dma_start3A_658 : memref<1x!tpu.dma_semaphore, #tpu.memory_space<semaphore_mem>> -> memref<!tpu.dma_semaphore, #tpu.memory_space<semaphore_mem>>
      %dma_start3A_660 = arith.constant 0 : i32
      %dma_start3A_661 = tpu.memref_slice %arg4[%add3A_649, %dma_start3A_660] : memref<819200x128xf32, #tpu.memory_space<hbm>> -> memref<128x128xf32, #tpu.memory_space<hbm>>
      %dma_start3A_662 = arith.constant 0 : i32
      %dma_start3A_663 = arith.constant 0 : i32
      %dma_start3A_664 = tpu.memref_slice %arg6[%dma_start3A_650, %dma_start3A_662, %dma_start3A_663] : memref<5x128x128xf32, #tpu.memory_space<vmem>> -> memref<1x128x128xf32, #tpu.memory_space<vmem>>
      %dma_start3A_665 = tpu.memref_squeeze %dma_start3A_664 : memref<1x128x128xf32, #tpu.memory_space<vmem>> -> memref<128x128xf32, #tpu.memory_space<vmem>>
      tpu.enqueue_dma source(%dma_start3A_665 : memref<128x128xf32, #tpu.memory_space<vmem>>) target(%dma_start3A_661 : memref<128x128xf32, #tpu.memory_space<hbm>>) target_semaphore(%dma_start3A_659 : memref<!tpu.dma_semaphore, #tpu.memory_space<semaphore_mem>>)
    }
    %scan3A_163 = arith.constant 39 : i32
    %dma_wait3A_164 = arith.constant 3 : i32
    %dma_wait3A_165 = arith.constant 3 : i32
    %dma_wait3A_166 = arith.constant 0 : i32
    %dma_wait3A_167 = arith.constant 0 : i32
    %dma_wait3A_168 = tpu.memref_slice %arg6[%dma_wait3A_164, %dma_wait3A_166, %dma_wait3A_167] : memref<5x128x128xf32, #tpu.memory_space<vmem>> -> memref<1x128x128xf32, #tpu.memory_space<vmem>>
    %dma_wait3A_169 = tpu.memref_squeeze %dma_wait3A_168 : memref<1x128x128xf32, #tpu.memory_space<vmem>> -> memref<128x128xf32, #tpu.memory_space<vmem>>
    %dma_wait3A_170 = arith.constant 25344 : i32
    %dma_wait3A_171 = tpu.memref_slice %arg5[%dma_wait3A_170] : memref<25600xi32, #tpu.memory_space<vmem>> -> memref<128xi32, #tpu.memory_space<vmem>>
    %dma_wait3A_172 = arith.constant 0 : i32
    %dma_wait3A_173 = arith.constant 0 : i32
    %dma_wait3A_174 = tpu.memref_slice %arg3[%dma_wait3A_172, %dma_wait3A_173] : memref<100000x128xf32, #tpu.memory_space<hbm>> -> memref<100000x128xf32, #tpu.memory_space<hbm>>
    %dma_wait3A_175 = tpu.memref_slice %arg7[%dma_wait3A_165] : memref<5x!tpu.dma_semaphore, #tpu.memory_space<semaphore_mem>> -> memref<1x!tpu.dma_semaphore, #tpu.memory_space<semaphore_mem>>
    %dma_wait3A_176 = tpu.memref_squeeze %dma_wait3A_175 : memref<1x!tpu.dma_semaphore, #tpu.memory_space<semaphore_mem>> -> memref<!tpu.dma_semaphore, #tpu.memory_space<semaphore_mem>>
    tpu.wait_indirect_dma semaphore(%dma_wait3A_176 : memref<!tpu.dma_semaphore, #tpu.memory_space<semaphore_mem>>) src(%dma_wait3A_174 : memref<100000x128xf32, #tpu.memory_space<hbm>>) dst(%dma_wait3A_169 : memref<128x128xf32, #tpu.memory_space<vmem>>)
    %add3A_177 = arith.constant 25344 : i32
    %add3A_178 = arith.addi %mul3A_2, %add3A_177 : i32
    %dma_start3A_179 = arith.constant 3 : i32
    %dma_start3A_180 = arith.constant 3 : i32
    %dma_start3A_181 = arith.constant 0 : i32
    %dma_start3A_182 = arith.constant 0 : i32
    %dma_start3A_183 = tpu.memref_slice %arg6[%dma_start3A_179, %dma_start3A_181, %dma_start3A_182] : memref<5x128x128xf32, #tpu.memory_space<vmem>> -> memref<1x128x128xf32, #tpu.memory_space<vmem>>
    %dma_start3A_184 = tpu.memref_squeeze %dma_start3A_183 : memref<1x128x128xf32, #tpu.memory_space<vmem>> -> memref<128x128xf32, #tpu.memory_space<vmem>>
    %dma_start3A_185 = arith.constant 0 : i32
    %dma_start3A_186 = tpu.memref_slice %arg4[%add3A_178, %dma_start3A_185] : memref<819200x128xf32, #tpu.memory_space<hbm>> -> memref<128x128xf32, #tpu.memory_space<hbm>>
    %dma_start3A_187 = tpu.memref_slice %arg8[%dma_start3A_180] : memref<5x!tpu.dma_semaphore, #tpu.memory_space<semaphore_mem>> -> memref<1x!tpu.dma_semaphore, #tpu.memory_space<semaphore_mem>>
    %dma_start3A_188 = tpu.memref_squeeze %dma_start3A_187 : memref<1x!tpu.dma_semaphore, #tpu.memory_space<semaphore_mem>> -> memref<!tpu.dma_semaphore, #tpu.memory_space<semaphore_mem>>
    %dma_start3A_189 = arith.constant 0 : i32
    %dma_start3A_190 = tpu.memref_slice %arg4[%add3A_178, %dma_start3A_189] : memref<819200x128xf32, #tpu.memory_space<hbm>> -> memref<128x128xf32, #tpu.memory_space<hbm>>
    %dma_start3A_191 = arith.constant 0 : i32
    %dma_start3A_192 = arith.constant 0 : i32
    %dma_start3A_193 = tpu.memref_slice %arg6[%dma_start3A_179, %dma_start3A_191, %dma_start3A_192] : memref<5x128x128xf32, #tpu.memory_space<vmem>> -> memref<1x128x128xf32, #tpu.memory_space<vmem>>
    %dma_start3A_194 = tpu.memref_squeeze %dma_start3A_193 : memref<1x128x128xf32, #tpu.memory_space<vmem>> -> memref<128x128xf32, #tpu.memory_space<vmem>>
    tpu.enqueue_dma source(%dma_start3A_194 : memref<128x128xf32, #tpu.memory_space<vmem>>) target(%dma_start3A_190 : memref<128x128xf32, #tpu.memory_space<hbm>>) target_semaphore(%dma_start3A_188 : memref<!tpu.dma_semaphore, #tpu.memory_space<semaphore_mem>>)
    %dma_wait3A_195 = arith.constant 4 : i32
    %dma_wait3A_196 = arith.constant 4 : i32
    %dma_wait3A_197 = arith.constant 0 : i32
    %dma_wait3A_198 = arith.constant 0 : i32
    %dma_wait3A_199 = tpu.memref_slice %arg6[%dma_wait3A_195, %dma_wait3A_197, %dma_wait3A_198] : memref<5x128x128xf32, #tpu.memory_space<vmem>> -> memref<1x128x128xf32, #tpu.memory_space<vmem>>
    %dma_wait3A_200 = tpu.memref_squeeze %dma_wait3A_199 : memref<1x128x128xf32, #tpu.memory_space<vmem>> -> memref<128x128xf32, #tpu.memory_space<vmem>>
    %dma_wait3A_201 = arith.constant 25472 : i32
    %dma_wait3A_202 = tpu.memref_slice %arg5[%dma_wait3A_201] : memref<25600xi32, #tpu.memory_space<vmem>> -> memref<128xi32, #tpu.memory_space<vmem>>
    %dma_wait3A_203 = arith.constant 0 : i32
    %dma_wait3A_204 = arith.constant 0 : i32
    %dma_wait3A_205 = tpu.memref_slice %arg3[%dma_wait3A_203, %dma_wait3A_204] : memref<100000x128xf32, #tpu.memory_space<hbm>> -> memref<100000x128xf32, #tpu.memory_space<hbm>>
    %dma_wait3A_206 = tpu.memref_slice %arg7[%dma_wait3A_196] : memref<5x!tpu.dma_semaphore, #tpu.memory_space<semaphore_mem>> -> memref<1x!tpu.dma_semaphore, #tpu.memory_space<semaphore_mem>>
    %dma_wait3A_207 = tpu.memref_squeeze %dma_wait3A_206 : memref<1x!tpu.dma_semaphore, #tpu.memory_space<semaphore_mem>> -> memref<!tpu.dma_semaphore, #tpu.memory_space<semaphore_mem>>
    tpu.wait_indirect_dma semaphore(%dma_wait3A_207 : memref<!tpu.dma_semaphore, #tpu.memory_space<semaphore_mem>>) src(%dma_wait3A_205 : memref<100000x128xf32, #tpu.memory_space<hbm>>) dst(%dma_wait3A_200 : memref<128x128xf32, #tpu.memory_space<vmem>>)
    %add3A_208 = arith.constant 25472 : i32
    %add3A_209 = arith.addi %mul3A_2, %add3A_208 : i32
    %dma_start3A_210 = arith.constant 4 : i32
    %dma_start3A_211 = arith.constant 4 : i32
    %dma_start3A_212 = arith.constant 0 : i32
    %dma_start3A_213 = arith.constant 0 : i32
    %dma_start3A_214 = tpu.memref_slice %arg6[%dma_start3A_210, %dma_start3A_212, %dma_start3A_213] : memref<5x128x128xf32, #tpu.memory_space<vmem>> -> memref<1x128x128xf32, #tpu.memory_space<vmem>>
    %dma_start3A_215 = tpu.memref_squeeze %dma_start3A_214 : memref<1x128x128xf32, #tpu.memory_space<vmem>> -> memref<128x128xf32, #tpu.memory_space<vmem>>
    %dma_start3A_216 = arith.constant 0 : i32
    %dma_start3A_217 = tpu.memref_slice %arg4[%add3A_209, %dma_start3A_216] : memref<819200x128xf32, #tpu.memory_space<hbm>> -> memref<128x128xf32, #tpu.memory_space<hbm>>
    %dma_start3A_218 = tpu.memref_slice %arg8[%dma_start3A_211] : memref<5x!tpu.dma_semaphore, #tpu.memory_space<semaphore_mem>> -> memref<1x!tpu.dma_semaphore, #tpu.memory_space<semaphore_mem>>
    %dma_start3A_219 = tpu.memref_squeeze %dma_start3A_218 : memref<1x!tpu.dma_semaphore, #tpu.memory_space<semaphore_mem>> -> memref<!tpu.dma_semaphore, #tpu.memory_space<semaphore_mem>>
    %dma_start3A_220 = arith.constant 0 : i32
    %dma_start3A_221 = tpu.memref_slice %arg4[%add3A_209, %dma_start3A_220] : memref<819200x128xf32, #tpu.memory_space<hbm>> -> memref<128x128xf32, #tpu.memory_space<hbm>>
    %dma_start3A_222 = arith.constant 0 : i32
    %dma_start3A_223 = arith.constant 0 : i32
    %dma_start3A_224 = tpu.memref_slice %arg6[%dma_start3A_210, %dma_start3A_222, %dma_start3A_223] : memref<5x128x128xf32, #tpu.memory_space<vmem>> -> memref<1x128x128xf32, #tpu.memory_space<vmem>>
    %dma_start3A_225 = tpu.memref_squeeze %dma_start3A_224 : memref<1x128x128xf32, #tpu.memory_space<vmem>> -> memref<128x128xf32, #tpu.memory_space<vmem>>
    tpu.enqueue_dma source(%dma_start3A_225 : memref<128x128xf32, #tpu.memory_space<vmem>>) target(%dma_start3A_221 : memref<128x128xf32, #tpu.memory_space<hbm>>) target_semaphore(%dma_start3A_219 : memref<!tpu.dma_semaphore, #tpu.memory_space<semaphore_mem>>)
    %dma_wait3A_226 = arith.constant 0 : i32
    %dma_wait3A_227 = arith.constant 0 : i32
    %dma_wait3A_228 = arith.constant 0 : i32
    %dma_wait3A_229 = arith.constant 0 : i32
    %dma_wait3A_230 = tpu.memref_slice %arg6[%dma_wait3A_226, %dma_wait3A_228, %dma_wait3A_229] : memref<5x128x128xf32, #tpu.memory_space<vmem>> -> memref<1x128x128xf32, #tpu.memory_space<vmem>>
    %dma_wait3A_231 = tpu.memref_squeeze %dma_wait3A_230 : memref<1x128x128xf32, #tpu.memory_space<vmem>> -> memref<128x128xf32, #tpu.memory_space<vmem>>
    %dma_wait3A_232 = arith.constant 0 : i32
    %dma_wait3A_233 = tpu.memref_slice %arg4[%mul3A_2, %dma_wait3A_232] : memref<819200x128xf32, #tpu.memory_space<hbm>> -> memref<128x128xf32, #tpu.memory_space<hbm>>
    %dma_wait3A_234 = tpu.memref_slice %arg8[%dma_wait3A_227] : memref<5x!tpu.dma_semaphore, #tpu.memory_space<semaphore_mem>> -> memref<1x!tpu.dma_semaphore, #tpu.memory_space<semaphore_mem>>
    %dma_wait3A_235 = tpu.memref_squeeze %dma_wait3A_234 : memref<1x!tpu.dma_semaphore, #tpu.memory_space<semaphore_mem>> -> memref<!tpu.dma_semaphore, #tpu.memory_space<semaphore_mem>>
    %dma_wait3A_236 = arith.constant 0 : i32
    %dma_wait3A_237 = tpu.memref_slice %arg4[%mul3A_2, %dma_wait3A_236] : memref<819200x128xf32, #tpu.memory_space<hbm>> -> memref<128x128xf32, #tpu.memory_space<hbm>>
    %dma_wait3A_238 = arith.constant 0 : i32
    %dma_wait3A_239 = arith.constant 0 : i32
    %dma_wait3A_240 = tpu.memref_slice %arg6[%dma_wait3A_226, %dma_wait3A_238, %dma_wait3A_239] : memref<5x128x128xf32, #tpu.memory_space<vmem>> -> memref<1x128x128xf32, #tpu.memory_space<vmem>>
    %dma_wait3A_241 = tpu.memref_squeeze %dma_wait3A_240 : memref<1x128x128xf32, #tpu.memory_space<vmem>> -> memref<128x128xf32, #tpu.memory_space<vmem>>
    tpu.wait_dma2 semaphore(%dma_wait3A_235 : memref<!tpu.dma_semaphore, #tpu.memory_space<semaphore_mem>>) src(%dma_wait3A_241 : memref<128x128xf32, #tpu.memory_space<vmem>>) dst(%dma_wait3A_237 : memref<128x128xf32, #tpu.memory_space<hbm>>)
    %dma_wait3A_242 = arith.constant 1 : i32
    %dma_wait3A_243 = arith.constant 1 : i32
    %dma_wait3A_244 = arith.constant 0 : i32
    %dma_wait3A_245 = arith.constant 0 : i32
    %dma_wait3A_246 = tpu.memref_slice %arg6[%dma_wait3A_242, %dma_wait3A_244, %dma_wait3A_245] : memref<5x128x128xf32, #tpu.memory_space<vmem>> -> memref<1x128x128xf32, #tpu.memory_space<vmem>>
    %dma_wait3A_247 = tpu.memref_squeeze %dma_wait3A_246 : memref<1x128x128xf32, #tpu.memory_space<vmem>> -> memref<128x128xf32, #tpu.memory_space<vmem>>
    %dma_wait3A_248 = arith.constant 0 : i32
    %dma_wait3A_249 = tpu.memref_slice %arg4[%mul3A_2, %dma_wait3A_248] : memref<819200x128xf32, #tpu.memory_space<hbm>> -> memref<128x128xf32, #tpu.memory_space<hbm>>
    %dma_wait3A_250 = tpu.memref_slice %arg8[%dma_wait3A_243] : memref<5x!tpu.dma_semaphore, #tpu.memory_space<semaphore_mem>> -> memref<1x!tpu.dma_semaphore, #tpu.memory_space<semaphore_mem>>
    %dma_wait3A_251 = tpu.memref_squeeze %dma_wait3A_250 : memref<1x!tpu.dma_semaphore, #tpu.memory_space<semaphore_mem>> -> memref<!tpu.dma_semaphore, #tpu.memory_space<semaphore_mem>>
    %dma_wait3A_252 = arith.constant 0 : i32
    %dma_wait3A_253 = tpu.memref_slice %arg4[%mul3A_2, %dma_wait3A_252] : memref<819200x128xf32, #tpu.memory_space<hbm>> -> memref<128x128xf32, #tpu.memory_space<hbm>>
    %dma_wait3A_254 = arith.constant 0 : i32
    %dma_wait3A_255 = arith.constant 0 : i32
    %dma_wait3A_256 = tpu.memref_slice %arg6[%dma_wait3A_242, %dma_wait3A_254, %dma_wait3A_255] : memref<5x128x128xf32, #tpu.memory_space<vmem>> -> memref<1x128x128xf32, #tpu.memory_space<vmem>>
    %dma_wait3A_257 = tpu.memref_squeeze %dma_wait3A_256 : memref<1x128x128xf32, #tpu.memory_space<vmem>> -> memref<128x128xf32, #tpu.memory_space<vmem>>
    tpu.wait_dma2 semaphore(%dma_wait3A_251 : memref<!tpu.dma_semaphore, #tpu.memory_space<semaphore_mem>>) src(%dma_wait3A_257 : memref<128x128xf32, #tpu.memory_space<vmem>>) dst(%dma_wait3A_253 : memref<128x128xf32, #tpu.memory_space<hbm>>)
    %dma_wait3A_258 = arith.constant 2 : i32
    %dma_wait3A_259 = arith.constant 2 : i32
    %dma_wait3A_260 = arith.constant 0 : i32
    %dma_wait3A_261 = arith.constant 0 : i32
    %dma_wait3A_262 = tpu.memref_slice %arg6[%dma_wait3A_258, %dma_wait3A_260, %dma_wait3A_261] : memref<5x128x128xf32, #tpu.memory_space<vmem>> -> memref<1x128x128xf32, #tpu.memory_space<vmem>>
    %dma_wait3A_263 = tpu.memref_squeeze %dma_wait3A_262 : memref<1x128x128xf32, #tpu.memory_space<vmem>> -> memref<128x128xf32, #tpu.memory_space<vmem>>
    %dma_wait3A_264 = arith.constant 0 : i32
    %dma_wait3A_265 = tpu.memref_slice %arg4[%mul3A_2, %dma_wait3A_264] : memref<819200x128xf32, #tpu.memory_space<hbm>> -> memref<128x128xf32, #tpu.memory_space<hbm>>
    %dma_wait3A_266 = tpu.memref_slice %arg8[%dma_wait3A_259] : memref<5x!tpu.dma_semaphore, #tpu.memory_space<semaphore_mem>> -> memref<1x!tpu.dma_semaphore, #tpu.memory_space<semaphore_mem>>
    %dma_wait3A_267 = tpu.memref_squeeze %dma_wait3A_266 : memref<1x!tpu.dma_semaphore, #tpu.memory_space<semaphore_mem>> -> memref<!tpu.dma_semaphore, #tpu.memory_space<semaphore_mem>>
    %dma_wait3A_268 = arith.constant 0 : i32
    %dma_wait3A_269 = tpu.memref_slice %arg4[%mul3A_2, %dma_wait3A_268] : memref<819200x128xf32, #tpu.memory_space<hbm>> -> memref<128x128xf32, #tpu.memory_space<hbm>>
    %dma_wait3A_270 = arith.constant 0 : i32
    %dma_wait3A_271 = arith.constant 0 : i32
    %dma_wait3A_272 = tpu.memref_slice %arg6[%dma_wait3A_258, %dma_wait3A_270, %dma_wait3A_271] : memref<5x128x128xf32, #tpu.memory_space<vmem>> -> memref<1x128x128xf32, #tpu.memory_space<vmem>>
    %dma_wait3A_273 = tpu.memref_squeeze %dma_wait3A_272 : memref<1x128x128xf32, #tpu.memory_space<vmem>> -> memref<128x128xf32, #tpu.memory_space<vmem>>
    tpu.wait_dma2 semaphore(%dma_wait3A_267 : memref<!tpu.dma_semaphore, #tpu.memory_space<semaphore_mem>>) src(%dma_wait3A_273 : memref<128x128xf32, #tpu.memory_space<vmem>>) dst(%dma_wait3A_269 : memref<128x128xf32, #tpu.memory_space<hbm>>)
    %dma_wait3A_274 = arith.constant 3 : i32
    %dma_wait3A_275 = arith.constant 3 : i32
    %dma_wait3A_276 = arith.constant 0 : i32
    %dma_wait3A_277 = arith.constant 0 : i32
    %dma_wait3A_278 = tpu.memref_slice %arg6[%dma_wait3A_274, %dma_wait3A_276, %dma_wait3A_277] : memref<5x128x128xf32, #tpu.memory_space<vmem>> -> memref<1x128x128xf32, #tpu.memory_space<vmem>>
    %dma_wait3A_279 = tpu.memref_squeeze %dma_wait3A_278 : memref<1x128x128xf32, #tpu.memory_space<vmem>> -> memref<128x128xf32, #tpu.memory_space<vmem>>
    %dma_wait3A_280 = arith.constant 0 : i32
    %dma_wait3A_281 = tpu.memref_slice %arg4[%mul3A_2, %dma_wait3A_280] : memref<819200x128xf32, #tpu.memory_space<hbm>> -> memref<128x128xf32, #tpu.memory_space<hbm>>
    %dma_wait3A_282 = tpu.memref_slice %arg8[%dma_wait3A_275] : memref<5x!tpu.dma_semaphore, #tpu.memory_space<semaphore_mem>> -> memref<1x!tpu.dma_semaphore, #tpu.memory_space<semaphore_mem>>
    %dma_wait3A_283 = tpu.memref_squeeze %dma_wait3A_282 : memref<1x!tpu.dma_semaphore, #tpu.memory_space<semaphore_mem>> -> memref<!tpu.dma_semaphore, #tpu.memory_space<semaphore_mem>>
    %dma_wait3A_284 = arith.constant 0 : i32
    %dma_wait3A_285 = tpu.memref_slice %arg4[%mul3A_2, %dma_wait3A_284] : memref<819200x128xf32, #tpu.memory_space<hbm>> -> memref<128x128xf32, #tpu.memory_space<hbm>>
    %dma_wait3A_286 = arith.constant 0 : i32
    %dma_wait3A_287 = arith.constant 0 : i32
    %dma_wait3A_288 = tpu.memref_slice %arg6[%dma_wait3A_274, %dma_wait3A_286, %dma_wait3A_287] : memref<5x128x128xf32, #tpu.memory_space<vmem>> -> memref<1x128x128xf32, #tpu.memory_space<vmem>>
    %dma_wait3A_289 = tpu.memref_squeeze %dma_wait3A_288 : memref<1x128x128xf32, #tpu.memory_space<vmem>> -> memref<128x128xf32, #tpu.memory_space<vmem>>
    tpu.wait_dma2 semaphore(%dma_wait3A_283 : memref<!tpu.dma_semaphore, #tpu.memory_space<semaphore_mem>>) src(%dma_wait3A_289 : memref<128x128xf32, #tpu.memory_space<vmem>>) dst(%dma_wait3A_285 : memref<128x128xf32, #tpu.memory_space<hbm>>)
    %dma_wait3A_290 = arith.constant 4 : i32
    %dma_wait3A_291 = arith.constant 4 : i32
    %dma_wait3A_292 = arith.constant 0 : i32
    %dma_wait3A_293 = arith.constant 0 : i32
    %dma_wait3A_294 = tpu.memref_slice %arg6[%dma_wait3A_290, %dma_wait3A_292, %dma_wait3A_293] : memref<5x128x128xf32, #tpu.memory_space<vmem>> -> memref<1x128x128xf32, #tpu.memory_space<vmem>>
    %dma_wait3A_295 = tpu.memref_squeeze %dma_wait3A_294 : memref<1x128x128xf32, #tpu.memory_space<vmem>> -> memref<128x128xf32, #tpu.memory_space<vmem>>
    %dma_wait3A_296 = arith.constant 0 : i32
    %dma_wait3A_297 = tpu.memref_slice %arg4[%mul3A_2, %dma_wait3A_296] : memref<819200x128xf32, #tpu.memory_space<hbm>> -> memref<128x128xf32, #tpu.memory_space<hbm>>
    %dma_wait3A_298 = tpu.memref_slice %arg8[%dma_wait3A_291] : memref<5x!tpu.dma_semaphore, #tpu.memory_space<semaphore_mem>> -> memref<1x!tpu.dma_semaphore, #tpu.memory_space<semaphore_mem>>
    %dma_wait3A_299 = tpu.memref_squeeze %dma_wait3A_298 : memref<1x!tpu.dma_semaphore, #tpu.memory_space<semaphore_mem>> -> memref<!tpu.dma_semaphore, #tpu.memory_space<semaphore_mem>>
    %dma_wait3A_300 = arith.constant 0 : i32
    %dma_wait3A_301 = tpu.memref_slice %arg4[%mul3A_2, %dma_wait3A_300] : memref<819200x128xf32, #tpu.memory_space<hbm>> -> memref<128x128xf32, #tpu.memory_space<hbm>>
    %dma_wait3A_302 = arith.constant 0 : i32
    %dma_wait3A_303 = arith.constant 0 : i32
    %dma_wait3A_304 = tpu.memref_slice %arg6[%dma_wait3A_290, %dma_wait3A_302, %dma_wait3A_303] : memref<5x128x128xf32, #tpu.memory_space<vmem>> -> memref<1x128x128xf32, #tpu.memory_space<vmem>>
    %dma_wait3A_305 = tpu.memref_squeeze %dma_wait3A_304 : memref<1x128x128xf32, #tpu.memory_space<vmem>> -> memref<128x128xf32, #tpu.memory_space<vmem>>
    tpu.wait_dma2 semaphore(%dma_wait3A_299 : memref<!tpu.dma_semaphore, #tpu.memory_space<semaphore_mem>>) src(%dma_wait3A_305 : memref<128x128xf32, #tpu.memory_space<vmem>>) dst(%dma_wait3A_301 : memref<128x128xf32, #tpu.memory_space<hbm>>)
    return
  }
}

</mosaic_0001>

<sc_bundles>
// kernel: _embed_flat.3.cloned.1.call-start
scs
__scs_entry_jumppad:
0x0: {  	(pc) =	sbr.rel $0x88, $3  }
0x1: {  	(tag) =	ssettag $0x0;
	lr =	simm.s32 $0x1  }
0x2: {  	[smem:$0x3F9F] =	sst lr;
	_ =	strace $0xD0000000  }
0x3: {  	_ = 	snop  }
0x4: {  	_ = 	snop  }
0x5: {  	_ = 	snop  }
0x6: {  	_ = 	snop  }
0x7: {  	_ = 	snop  }
__scs_overlays_trampoline_lowered:
0x8: {  	[smem:$0x3FAE] =	sst s0  }
0x9: {  	[smem:$0x3FAF] =	sst s1  }
0xa: {  	[smem:$0x3FB0] =	sst s2  }
0xb: {  	[smem:$0x3FB1] =	sst s3  }
0xc: {  	[smem:$0x3FB2] =	sst s4  }
0xd: {  	[smem:$0x3FB3] =	sst s5  }
0xe: {  	[smem:$0x3FB4] =	sst s6  }
0xf: {  	[smem:$0x3FB5] =	sst s7  }
0x10: {  	[smem:$0x3FB6] =	sst s8  }
0x11: {  	[smem:$0x3FB7] =	sst s9;
	s0 =	simm.s32 @!p0 $0x0  }
0x12: {  	s1 =	sld [smem:$0x3F9D];
	s0 =	simm.s32 @p0 $0x1  }
0x13: {  	[smem:$0x3FB8] =	sst s0;
	s0 =	simm.s32 @!p1 $0x0  }
0x14: {  	s2 =	sld [smem:$0x3F9C];
	s0 =	simm.s32 @p1 $0x1  }
0x15: {  	[smem:$0x3FB9] =	sst s0;
	s0 =	simm.s32 @!p2 $0x0  }
0x16: {  	s3 =	sld [smem:$0x3FDB];
	s0 =	simm.s32 @p2 $0x1  }
0x17: {  	s4 =	simm.s32 $0x1BF5;
	[smem:$0x3FBB] =	sst s0  }
0x18: {  	s0 =	sld [smem:$0x3F9E];
	_ =	swait.ge [sflag:s4], $0x0  }
0x19: {  	s7 =	sld [smem:$0x3F9F]  }
0x1a: {  	s8 =	sadd.s32 $0xFFFFE003, lr  }
0x1b: {  	s9 =	sadd.s32 $0xFFFFFEF7, lr;
	s5 =	simm.s32 $0xFFFFFFFF;
	p2 =	slt.u32 s8, $0xFFFFF086  }
0x1c: {  	p1 =	slt.u32 s9, $0xF7A;
	s5 =	simm.s32 @!p2 $0x0  }
0x1d: {  	s5 =	simm.s32 @p1 $0x1;
	p0 =	seq.s32 s7, s2  }
0x1e: {  	s7 =	smul.u32 @!p0 $0xF7A, s2;
	p2 =	seq.s32 @!p0 s5, $0x0  }
0x1f: {  	s9 =	smul.u32 $0xF7A, s1;
	s8 =	simm.s32 @!p0 $0x1BF5;
	p2 =	por !p2, p0  }
0x20: {  	[sflag:s8] =	ssyncset.s32 @!p0 $0xFFFFF086;
	s6 =	sadd.s32 @!p0 s3, s7;
	s7 =	simm.s32 @!p0 $0x108  }
0x21: {  	s3 =	sadd.s32 s3, s9;
	s6 =	sadd.s32 @!p0 $0x88, s6;
	s7 =	simm.s32 @p2 $0x1082  }
0x22: {  	[simem:s7], [sflag:s8] =	dma.local @!p0 [hbm:s6], $0xF7A  }
0x23: {  	s9 =	sor.u32 $0xD0000000, s2;
	s6 =	simm.s32 $0x108;
	_ =	swait.ge @!p0 [sflag:s8], $0x0  }
0x24: {  	s3 =	sadd.s32 $0x88, s3;
	s6 =	simm.s32 @!p1 $0x1082;
	[sflag:s4] =	ssyncset.s32 $0xFFFFF086  }
0x25: {  	[simem:s6], [sflag:s4] =	dma.local [hbm:s3], $0xF7A  }
0x26: {  	[smem:$0x3F9F] =	sst s1;
	(tag) =	ssettag s2;
	_ =	strace s9  }
0x27: {  	s1 =	sld [smem:$0x3FAF]  }
0x28: {  	s2 =	sld [smem:$0x3FB0]  }
0x29: {  	s4 =	sld [smem:$0x3FB2]  }
0x2a: {  	p0 =	seq.s32 s5, $0x0;
	s5 =	sld [smem:$0x3FB3]  }
0x2b: {  	s6 =	sld [smem:$0x3FB4]  }
0x2c: {  	s7 =	sld [smem:$0x3FB5]  }
0x2d: {  	s3 =	simm.s32 $0x108;
	s8 =	sld [smem:$0x3FB6]  }
0x2e: {  	s3 =	simm.s32 @!p0 $0x1082;
	s9 =	sld [smem:$0x3FB7]  }
0x2f: {  	lr =	sadd.s32 s0, s3;
	s0 =	sld [smem:$0x3FAE]  }
0x30: {  	s3 =	sld [smem:$0x3FB1]  }
0x31: {  	[smem:$0x3FBA] =	sst s10  }
0x32: {  	s10 =	sld [smem:$0x3FB8];
	_ =	sdelay $0x3  }
0x33: {  	p0 =	seq.s32 s10, $0x1;
	s10 =	sld [smem:$0x3FBA];
	_ =	sdelay $0x3  }
0x34: {  	[smem:$0x3FBA] =	sst s10  }
0x35: {  	s10 =	sld [smem:$0x3FB9];
	_ =	sdelay $0x3  }
0x36: {  	p1 =	seq.s32 s10, $0x1;
	s10 =	sld [smem:$0x3FBA];
	_ =	sdelay $0x3  }
0x37: {  	[smem:$0x3FBA] =	sst s10  }
0x38: {  	s10 =	sld [smem:$0x3FBB]  }
0x39: {  	_ = 	snop;
	(pc) =	sbr.ind lr, $3  }
0x3a: {  	_ = 	snop  }
0x3b: {  	_ = 	snop  }
0x3c: {  	p2 =	seq.s32 s10, $0x1;
	s10 =	sld [smem:$0x3FBA]  }
0x3d: {  	_ =	shalt  }
0x3e: {  	_ =	shalt  }
0x3f: {  	_ =	shalt  }
0x40: {  	_ =	shalt  }
0x41: {  	_ =	shalt  }
0x42: {  	_ =	shalt  }
0x43: {  	_ =	shalt  }
0x44: {  	_ =	shalt  }
0x45: {  	_ =	shalt  }
0x46: {  	_ =	shalt  }
0x47: {  	_ =	shalt  }
0x48: {  	_ =	shalt  }
0x49: {  	_ =	shalt  }
0x4a: {  	_ =	shalt  }
0x4b: {  	_ =	shalt  }
0x4c: {  	_ =	shalt  }
0x4d: {  	_ =	shalt  }
0x4e: {  	_ =	shalt  }
0x4f: {  	_ =	shalt  }
0x50: {  	_ =	shalt  }
0x51: {  	_ =	shalt  }
0x52: {  	_ =	shalt  }
0x53: {  	_ =	shalt  }
0x54: {  	_ =	shalt  }
0x55: {  	_ =	shalt  }
0x56: {  	_ =	shalt  }
0x57: {  	_ =	shalt  }
0x58: {  	_ =	shalt  }
0x59: {  	_ =	shalt  }
0x5a: {  	_ =	shalt  }
0x5b: {  	_ =	shalt  }
0x5c: {  	_ =	shalt  }
0x5d: {  	_ =	shalt  }
0x5e: {  	_ =	shalt  }
0x5f: {  	_ =	shalt  }
0x60: {  	_ =	shalt  }
0x61: {  	_ =	shalt  }
0x62: {  	_ =	shalt  }
0x63: {  	_ =	shalt  }
0x64: {  	_ =	shalt  }
0x65: {  	_ =	shalt  }
0x66: {  	_ =	shalt  }
0x67: {  	_ =	shalt  }
0x68: {  	_ =	shalt  }
0x69: {  	_ =	shalt  }
0x6a: {  	_ =	shalt  }
0x6b: {  	_ =	shalt  }
0x6c: {  	_ =	shalt  }
0x6d: {  	_ =	shalt  }
0x6e: {  	_ =	shalt  }
0x6f: {  	_ =	shalt  }
0x70: {  	_ =	shalt  }
0x71: {  	_ =	shalt  }
0x72: {  	_ =	shalt  }
0x73: {  	_ =	shalt  }
0x74: {  	_ =	shalt  }
0x75: {  	_ =	shalt  }
0x76: {  	_ =	shalt  }
0x77: {  	_ =	shalt  }
0x78: {  	_ =	shalt  }
0x79: {  	_ =	shalt  }
0x7a: {  	_ =	shalt  }
0x7b: {  	_ =	shalt  }
0x7c: {  	_ =	shalt  }
0x7d: {  	_ =	shalt  }
0x7e: {  	_ =	shalt  }
0x7f: {  	_ =	shalt  }
0x80: {  	_ =	shalt  }
0x81: {  	_ =	shalt  }
0x82: {  	_ =	shalt  }
0x83: {  	_ =	shalt  }
0x84: {  	_ =	shalt  }
0x85: {  	_ =	shalt  }
0x86: {  	_ =	shalt  }
0x87: {  	_ =	shalt  }
.Lfunc_end0:
.L_simem_size_0:
called_computation_lowered:
.L_overlay_start_0:
0x88: {  	s2 =	sld [smem:$0x3FD9]  }
0x89: {  	s3 =	sld [smem:$0x3FFE];
	_ =	sdelay $0x1  }
0x8a: {  	s1 =	srdreg.scid  }
0x8b: {  	s0 =	sand.u32 $0x1, s1  }
0x8c: {  	s18 =	sshll.u32 s0, $0xA;
	s2 =	sadd.s32 s3, s2  }
0x8d: {  	s2 =	sadd.s32 s2, s18  }
0x8e: {  	[smem:$0x3FC6] =	sst s2  }
0x8f: {  	_ = 	snop  }
0x90: {  	s2 =	sld [smem:$0x3FC9]  }
0x91: {  	s19 =	sld [smem:$0x3FC8]  }
0x92: {  	s4 =	sld [smem:$0x3FD0];
	(tm) =	ssettm $0x1  }
0x93: {  	s5 =	sld [smem:$0x3FFB];
	_ =	sdelay $0x3  }
0x94: {  	_ =	strace s5  }
0x95: {  	s5 =	sld [smem:$0x3FFC];
	_ =	sdelay $0x3  }
0x96: {  	_ =	strace s5  }
0x97: {  	s5 =	sld [smem:$0x3FFD];
	_ =	sdelay $0x3  }
0x98: {  	_ =	strace s5  }
0x99: {  	_ =	strace $0x8FFFFFFF  }
0x9a: {  	s20 =	sld [smem:$0x3FDB];
	_ =	sdelay $0x1  }
0x9b: {  	s6 =	simm.s32 $_scs_section_size  }
0x9c: {  	s7 =	simm.s32 $_size__tile_overlayer_lowered;
	s8 =	simm.s32 $_tile_overlayer_lowered  }
0x9d: {  	s23 =	simm.s32 $0x1BFF;
	s22 =	sshll.u32 s8, $0x1;
	s5 =	sadd.s32 s6, s20  }
0x9e: {  	s9 =	simm.s32 $0x0;
	s21 =	sshll.u32 s7, $0x1;
	s7 =	sadd.s32 s22, s5  }
0x9f: {  	[timem:s9], [sflag:s23] =	dma.local [hbm:s7], s21  }
0xa0: {  	_ =	swait.ge [sflag:s23], s21  }
0xa1: {  	s6 =	ssub.s32 $0x0, s21;
	[sflag:s23] =	ssyncset.done $0x0  }
0xa2: {  	[sflag:s23] =	ssyncadd.s32 s6;
	_ =	sdelay $0x1  }
0xa3: {  	s24 =	simm.s32 $0x1B8B  }
0xa4: {  	_ =	swait.ge [sflag:s24], $0x1  }
0xa5: {  	[sflag:s24] =	ssyncset.done $0x0  }
0xa6: {  	s25 =	simm.s32 $0x1B8E;
	[sflag:s24] =	ssyncadd.s32 $0xFFFFFFFF  }
0xa7: {  	s26 =	simm.s32 $execute0_lowered;
	[smem:$0x3FD2] =	sst s25  }
0xa8: {  	s6 =	sshll.u32 s26, $0x1;
	_ =	strace $0x80000046;
	[dreg:$0x1] =	wrdreg $0xFFFFFFFF  }
0xa9: {  	s28 =	simm.s32 $_size_execute0_lowered;
	s5 =	sadd.s32 s5, s6;
	[dreg:$0x0] =	wrdreg $0x0  }
0xaa: {  	s6 =	sshll.u32 s28, $0x1;
	[dreg:$0x2] =	wrdreg s5  }
0xab: {  	[dreg:$0x3] =	wrdreg s6  }
0xac: {  	[dreg:$0x4] =	wrdreg $0xC0  }
0xad: {  	_ =	task [dreg:s9], $0x5FFFF  }
0xae: {  	[dreg:$0x1] =	wrdreg $0xFFFFFFFF  }
0xaf: {  	[dreg:$0x0] =	wrdreg $0x60  }
0xb0: {  	[dreg:$0x2] =	wrdreg s2  }
0xb1: {  	[dreg:$0x3] =	wrdreg s19  }
0xb2: {  	[dreg:$0x4] =	wrdreg s4  }
0xb3: {  	[dreg:$0x5] =	wrdreg $0x9  }
0xb4: {  	_ =	task.clear_ibuf [dreg:s9], $0x6FFFF;
	_ =	strace $0x90000046  }
0xb5: {  	s29 =	simm.s32 $0x9;
	_ =	strace $0x80000048  }
0xb6: {  	_ =	swait.ge [sflag:s29], $0x1  }
0xb7: {  	[sflag:s29] =	ssyncadd.s32 $0xFFFFFFFF  }
0xb8: {  	_ =	strace $0x90000048  }
0xb9: {  	_ =	sfence  }
0xba: {  	s30 =	sld [smem:$0x0];
	_ =	sdelay $0x2  }
0xbb: {  	s31 =	sshll.u32 s1, $0xD;
	s1 =	sshrl.u32 s1, $0x2  }
0xbc: {  	s3 =	sand.u32 $0x4000, s31;
	s1 =	sadd.s32 s1, s30  }
0xbd: {  	s0 =	sor.u32 s3, s0;
	s1 =	sshll.u32 s1, $0x11  }
0xbe: {  	s0 =	sor.u32 s1, s0  }
0xbf: {  	s0 =	sadd.s32 $0x8F2B, s0  }
0xc0: {  	[sflag:s0] =	ssyncadd.remote.s32 $0x1  }
0xc1: {  	_ =	sfence.sel $0xFFFF  }
0xc2: {  	[dreg:$0x0] =	wrdreg $0xFFFFFFFF;
	(pc) =	sbr.abs _section_cstart, $3  }
0xc3: {  	[dreg:$0x1] =	wrdreg $0xFFFFFFFF  }
0xc4: {  	_ =	task.clear_ibuf [dreg:s9], $0x2FFFF;
	_ =	strace $0x9FFFFFFF  }
0xc5: {  	(tm) =	ssettm $0x7FFFFFFF  }
tec
execute0_lowered:
.L_overlay_start_1:
0x0: {  	(tag) =	ssettag $0x1  }
0x1: {  	s0 =	rddreg [dreg:$0x0]  }
0x2: {  	s2 =	rddreg [dreg:$0x1];
	s1 =	srdreg.scid  }
0x3: {  	s12 =	stileid.u32;
	s7 =	rddreg [dreg:$0x2];
	s3 =	simm.s32 $0x0  }
0x4: {  	s13 =	simm.s32 $0x80;
	s14 =	simm.s32 $0x6400;
	s15 =	simm.s32 $0xA400  }
0x5: {  	s17 =	simm.s32 $0xE400;
	s18 =	simm.s32 $0x1;
	s20 =	simm.s32 $0x12400  }
0x6: {  	s21 =	simm.s32 $0x2;
	s23 =	simm.s32 $0x16400;
	s28 =	simm.s32 $0x7  }
0x7: {  	s29 =	simm.s32 $0x5;
	s30 =	simm.s32 $0x8;
	s31 =	simm.s32 $0x9  }
0x8: {  	s1 =	sand.u32 $0x1, s1;
	s4 =	sshll.u32 s12, $0x1;
	s24 =	smul.u32 $0xC8000, s12  }
0x9: {  	s4 =	sor.u32 s1, s4;
	s6 =	ssub.s32 $0x2, s1;
	s1 =	smul.u32 $0x64000, s1  }
0xa: {  	[smem:$0x7FF] =	sst s3;
	s12 =	simm.s32 $0xB;
	s5 =	smul.u32 $0x6400, s4  }
0xb: {  	_ =	strace $0x80000047;
	s9 =	sshrl.u32 s6, $0x1;
	s10 =	smul.u32 $0x320000, s4  }
0xc: {  	s8 =	smul.u32 $0x64000, s4;
	s11 =	ssub.s32 s6, s9;
	s5 =	sshrl.u32 s5, $0x3  }
0xd: {  	s25 =	sshrl.u32 s10, $0x3;
	s10 =	smax.u32 s11, $0x1;
	s0 =	sadd.s32 s0, s5  }
0xe: {  	s5 =	sadd.s32 s7, s8;
	s26 =	sadd.s32 s7, s25;
	s25 =	simm.s32 $0x6  }
0xf: {  	[dreg:$0x4] =	wrdreg s0;
	s6 =	sadd.s32 $0x800, s5;
	s0 =	sadd.s32 s24, s7  }
0x10: {  	s7 =	sadd.s32 $0x1000, s5;
	s8 =	sadd.s32 $0x63000, s26;
	s9 =	sadd.s32 $0x63800, s26  }
0x11: {  	s24 =	simm.s32 $0x3;
	s26 =	simm.s32 $0x4;
	s0 =	sadd.s32 s1, s0  }
0x12: {  	s1 =	simm.s32 $0xA;
	s11 =	sadd.s32 $0x2000, s0;
	s0 =	simm.s32 $0x0  }
.LBB2_1:
0x13: {  	s4 =	rddreg [dreg:$0x4]  }
0x14: {  	[tilespmem:s3], [sflag:$0xB] =	stream.linear.gather [hbm4b:s4+s3], $0x6400, $0x38;
	[tilespmem:$0x1A400] =	vst v63  }
0x15: {  	_ =	swait.ge [sflag:s12], $0x6400  }
0x16: {  	[sflag:s12] =	ssyncset.done $0x0  }
0x17: {  	[sflag:s12] =	ssyncadd.s32 $0xFFFF9C00  }
0x18: {  	[tilespmem:s14], [sflag:$0x1] =	stream.indirect.gather [hbm4b:s2+s13], $0x80, s3, s13, $0xb8;
	[tilespmem:$0x1A400] =	vst v63  }
0x19: {  	_ = 	snop  }
0x1a: {  	[tilespmem:s15], [sflag:$0x2] =	stream.indirect.gather [hbm4b:s2+s13], $0x80, s13, s13, $0xb8;
	[tilespmem:$0x1A400] =	vst v63  }
0x1b: {  	s22 =	simm.s32 $0x100  }
0x1c: {  	[tilespmem:s17], [sflag:$0x3] =	stream.indirect.gather [hbm4b:s2+s13], $0x80, s22, s13, $0xb8;
	[tilespmem:$0x1A400] =	vst v63  }
0x1d: {  	_ =	swait.ge [sflag:s18], $0x4000  }
0x1e: {  	[sflag:s18] =	ssyncset.done $0x0  }
0x1f: {  	[sflag:s18] =	ssyncadd.s32 $0xFFFFC000  }
0x20: {  	[hbm4b:s5+s3] =	stream.linear.scatter [tilespmem:s14], [sflag:$0x6], $0x4000, $0x38;
	[tilespmem:$0x1A400] =	vst v63  }
0x21: {  	s16 =	simm.s32 $0x180  }
0x22: {  	[tilespmem:s20], [sflag:$0x4] =	stream.indirect.gather [hbm4b:s2+s13], $0x80, s16, s13, $0xb8;
	[tilespmem:$0x1A400] =	vst v63  }
0x23: {  	_ =	swait.ge [sflag:s21], $0x4000  }
0x24: {  	[sflag:s21] =	ssyncset.done $0x0  }
0x25: {  	[sflag:s21] =	ssyncadd.s32 $0xFFFFC000  }
0x26: {  	[hbm4b:s6+s3] =	stream.linear.scatter [tilespmem:s15], [sflag:$0x7], $0x4000, $0x38;
	[tilespmem:$0x1A400] =	vst v63  }
0x27: {  	s19 =	simm.s32 $0x200  }
0x28: {  	[tilespmem:s23], [sflag:$0x5] =	stream.indirect.gather [hbm4b:s2+s13], $0x80, s19, s13, $0xb8;
	[tilespmem:$0x1A400] =	vst v63  }
0x29: {  	_ =	swait.ge [sflag:s24], $0x4000  }
0x2a: {  	[sflag:s24] =	ssyncset.done $0x0  }
0x2b: {  	[sflag:s24] =	ssyncadd.s32 $0xFFFFC000  }
0x2c: {  	[hbm4b:s7+s3] =	stream.linear.scatter [tilespmem:s17], [sflag:$0x8], $0x4000, $0x38;
	[tilespmem:$0x1A400] =	vst v63  }
0x2d: {  	_ =	swait.ge [sflag:s25], $0x4000  }
0x2e: {  	[sflag:s25] =	ssyncset.done $0x0  }
0x2f: {  	s16 =	simm.s32 $0x280;
	[sflag:s25] =	ssyncadd.s32 $0xFFFFC000  }
0x30: {  	[tilespmem:s14], [sflag:$0x1] =	stream.indirect.gather [hbm4b:s2+s13], $0x80, s16, s13, $0xb8;
	[tilespmem:$0x1A400] =	vst v63  }
0x31: {  	_ =	swait.ge [sflag:s26], $0x4000  }
0x32: {  	[sflag:s26] =	ssyncset.done $0x0  }
0x33: {  	s22 =	sadd.s32 $0xFFFFF800, s11;
	[sflag:s26] =	ssyncadd.s32 $0xFFFFC000  }
0x34: {  	[hbm4b:s22+s3] =	stream.linear.scatter [tilespmem:s20], [sflag:$0x9], $0x4000, $0x38;
	[tilespmem:$0x1A400] =	vst v63  }
0x35: {  	_ =	swait.ge [sflag:s28], $0x4000  }
0x36: {  	[sflag:s28] =	ssyncset.done $0x0  }
0x37: {  	s4 =	simm.s32 $0x300;
	[sflag:s28] =	ssyncadd.s32 $0xFFFFC000  }
0x38: {  	[tilespmem:s15], [sflag:$0x2] =	stream.indirect.gather [hbm4b:s2+s13], $0x80, s4, s13, $0xb8;
	[tilespmem:$0x1A400] =	vst v63  }
0x39: {  	_ =	swait.ge [sflag:s29], $0x4000  }
0x3a: {  	[sflag:s29] =	ssyncset.done $0x0  }
0x3b: {  	[sflag:s29] =	ssyncadd.s32 $0xFFFFC000  }
0x3c: {  	[hbm4b:s11+s3] =	stream.linear.scatter [tilespmem:s23], [sflag:$0xA], $0x4000, $0x38;
	[tilespmem:$0x1A400] =	vst v63  }
0x3d: {  	_ =	swait.ge [sflag:s30], $0x4000  }
0x3e: {  	[sflag:s30] =	ssyncset.done $0x0  }
0x3f: {  	s19 =	simm.s32 $0x380;
	[sflag:s30] =	ssyncadd.s32 $0xFFFFC000  }
0x40: {  	[tilespmem:s17], [sflag:$0x3] =	stream.indirect.gather [hbm4b:s2+s13], $0x80, s19, s13, $0xb8;
	[tilespmem:$0x1A400] =	vst v63  }
0x41: {  	_ =	swait.ge [sflag:s18], $0x4000  }
0x42: {  	[sflag:s18] =	ssyncset.done $0x0  }
0x43: {  	s22 =	sadd.s32 $0x800, s11;
	[sflag:s18] =	ssyncadd.s32 $0xFFFFC000  }
0x44: {  	[hbm4b:s22+s3] =	stream.linear.scatter [tilespmem:s14], [sflag:$0x6], $0x4000, $0x38;
	[tilespmem:$0x1A400] =	vst v63  }
0x45: {  	_ =	swait.ge [sflag:s31], $0x4000  }
0x46: {  	[sflag:s31] =	ssyncset.done $0x0  }
0x47: {  	s4 =	simm.s32 $0x400;
	[sflag:s31] =	ssyncadd.s32 $0xFFFFC000  }
0x48: {  	[tilespmem:s20], [sflag:$0x4] =	stream.indirect.gather [hbm4b:s2+s13], $0x80, s4, s13, $0xb8;
	[tilespmem:$0x1A400] =	vst v63  }
0x49: {  	_ =	swait.ge [sflag:s21], $0x4000  }
0x4a: {  	[sflag:s21] =	ssyncset.done $0x0  }
0x4b: {  	s19 =	sadd.s32 $0x1000, s11;
	[sflag:s21] =	ssyncadd.s32 $0xFFFFC000  }
0x4c: {  	[hbm4b:s19+s3] =	stream.linear.scatter [tilespmem:s15], [sflag:$0x7], $0x4000, $0x38;
	[tilespmem:$0x1A400] =	vst v63  }
0x4d: {  	_ =	swait.ge [sflag:s1], $0x4000  }
0x4e: {  	[sflag:s1] =	ssyncset.done $0x0  }
0x4f: {  	s22 =	simm.s32 $0x480;
	[sflag:s1] =	ssyncadd.s32 $0xFFFFC000  }
0x50: {  	[tilespmem:s23], [sflag:$0x5] =	stream.indirect.gather [hbm4b:s2+s13], $0x80, s22, s13, $0xb8;
	[tilespmem:$0x1A400] =	vst v63  }
0x51: {  	_ =	swait.ge [sflag:s24], $0x4000  }
0x52: {  	s16 =	simm.s32 $0xA00;
	[sflag:s24] =	ssyncset.done $0x0  }
0x53: {  	s19 =	sadd.s32 $0x2800, s11;
	s22 =	sadd.s32 $0x1800, s11;
	[sflag:s24] =	ssyncadd.s32 $0xFFFFC000  }
.LBB2_2:
0x54: {  	[hbm4b:s22+s3] =	stream.linear.scatter [tilespmem:s17], [sflag:$0x8], $0x4000, $0x38;
	[tilespmem:$0x1A400] =	vst v63  }
0x55: {  	s22 =	smov.u32 s16  }
0x56: {  	p0 =	sne.s32 s16, $0x17C00;
	s16 =	sadd.s32 $0xA00, s16;
	_ =	swait.ge [sflag:s25], $0x4000  }
0x57: {  	s22 =	sshra.s32 s22, $0x2;
	[sflag:s25] =	ssyncset.done $0x0  }
0x58: {  	s4 =	sadd.s32 $0x280, s22;
	[sflag:s25] =	ssyncadd.s32 $0xFFFFC000  }
0x59: {  	[tilespmem:s14], [sflag:$0x1] =	stream.indirect.gather [hbm4b:s2+s13], $0x80, s4, s13, $0xb8;
	[tilespmem:$0x1A400] =	vst v63  }
0x5a: {  	_ =	swait.ge [sflag:s26], $0x4000  }
0x5b: {  	[sflag:s26] =	ssyncset.done $0x0  }
0x5c: {  	s4 =	sadd.s32 $0xFFFFF800, s19;
	[sflag:s26] =	ssyncadd.s32 $0xFFFFC000  }
0x5d: {  	[hbm4b:s4+s3] =	stream.linear.scatter [tilespmem:s20], [sflag:$0x9], $0x4000, $0x38;
	[tilespmem:$0x1A400] =	vst v63  }
0x5e: {  	_ =	swait.ge [sflag:s28], $0x4000  }
0x5f: {  	[sflag:s28] =	ssyncset.done $0x0  }
0x60: {  	s4 =	sadd.s32 $0x300, s22;
	[sflag:s28] =	ssyncadd.s32 $0xFFFFC000  }
0x61: {  	[tilespmem:s15], [sflag:$0x2] =	stream.indirect.gather [hbm4b:s2+s13], $0x80, s4, s13, $0xb8;
	[tilespmem:$0x1A400] =	vst v63  }
0x62: {  	_ =	swait.ge [sflag:s29], $0x4000  }
0x63: {  	[sflag:s29] =	ssyncset.done $0x0  }
0x64: {  	[sflag:s29] =	ssyncadd.s32 $0xFFFFC000  }
0x65: {  	[hbm4b:s19+s3] =	stream.linear.scatter [tilespmem:s23], [sflag:$0xA], $0x4000, $0x38;
	[tilespmem:$0x1A400] =	vst v63  }
0x66: {  	_ =	swait.ge [sflag:s30], $0x4000  }
0x67: {  	[sflag:s30] =	ssyncset.done $0x0  }
0x68: {  	s4 =	sadd.s32 $0x380, s22;
	[sflag:s30] =	ssyncadd.s32 $0xFFFFC000  }
0x69: {  	[tilespmem:s17], [sflag:$0x3] =	stream.indirect.gather [hbm4b:s2+s13], $0x80, s4, s13, $0xb8;
	[tilespmem:$0x1A400] =	vst v63  }
0x6a: {  	_ =	swait.ge [sflag:s18], $0x4000  }
0x6b: {  	[sflag:s18] =	ssyncset.done $0x0  }
0x6c: {  	s4 =	sadd.s32 $0x800, s19;
	[sflag:s18] =	ssyncadd.s32 $0xFFFFC000  }
0x6d: {  	[hbm4b:s4+s3] =	stream.linear.scatter [tilespmem:s14], [sflag:$0x6], $0x4000, $0x38;
	[tilespmem:$0x1A400] =	vst v63  }
0x6e: {  	_ =	swait.ge [sflag:s31], $0x4000  }
0x6f: {  	[sflag:s31] =	ssyncset.done $0x0  }
0x70: {  	s4 =	sadd.s32 $0x400, s22;
	[sflag:s31] =	ssyncadd.s32 $0xFFFFC000  }
0x71: {  	[tilespmem:s20], [sflag:$0x4] =	stream.indirect.gather [hbm4b:s2+s13], $0x80, s4, s13, $0xb8;
	[tilespmem:$0x1A400] =	vst v63  }
0x72: {  	_ =	swait.ge [sflag:s21], $0x4000  }
0x73: {  	[sflag:s21] =	ssyncset.done $0x0  }
0x74: {  	s4 =	sadd.s32 $0x1000, s19;
	[sflag:s21] =	ssyncadd.s32 $0xFFFFC000  }
0x75: {  	[hbm4b:s4+s3] =	stream.linear.scatter [tilespmem:s15], [sflag:$0x7], $0x4000, $0x38;
	[tilespmem:$0x1A400] =	vst v63  }
0x76: {  	_ =	swait.ge [sflag:s1], $0x4000  }
0x77: {  	[sflag:s1] =	ssyncset.done $0x0  }
.Ltmp0:
0x78: {  	s4 =	sadd.s32 $0x480, s22;
	[sflag:s1] =	ssyncadd.s32 $0xFFFFC000;
	(pc) =	sbr.rel @p0 .LBB2_2-.Ltmp0, $4  }
0x79: {  	[tilespmem:s23], [sflag:$0x5] =	stream.indirect.gather [hbm4b:s2+s13], $0x80, s4, s13, $0xb8;
	[tilespmem:$0x1A400] =	vst v63  }
0x7a: {  	_ =	swait.ge [sflag:s24], $0x4000  }
0x7b: {  	[sflag:s24] =	ssyncset.done $0x0  }
0x7c: {  	s22 =	sadd.s32 $0x1800, s19;
	s19 =	sadd.s32 $0x2800, s19;
	[sflag:s24] =	ssyncadd.s32 $0xFFFFC000  }
0x7d: {  	[hbm4b:s22+s3] =	stream.linear.scatter [tilespmem:s17], [sflag:$0x8], $0x4000, $0x38;
	[tilespmem:$0x1A400] =	vst v63  }
0x7e: {  	_ =	swait.ge [sflag:s26], $0x4000  }
0x7f: {  	[sflag:s26] =	ssyncset.done $0x0  }
0x80: {  	[sflag:s26] =	ssyncadd.s32 $0xFFFFC000  }
0x81: {  	[hbm4b:s8+s3] =	stream.linear.scatter [tilespmem:s20], [sflag:$0x9], $0x4000, $0x38;
	[tilespmem:$0x1A400] =	vst v63  }
0x82: {  	_ =	swait.ge [sflag:s29], $0x4000  }
0x83: {  	[sflag:s29] =	ssyncset.done $0x0  }
0x84: {  	[sflag:s29] =	ssyncadd.s32 $0xFFFFC000  }
0x85: {  	[hbm4b:s9+s3] =	stream.linear.scatter [tilespmem:s23], [sflag:$0xA], $0x4000, $0x38;
	[tilespmem:$0x1A400] =	vst v63  }
0x86: {  	_ =	swait.ge [sflag:s25], $0x4000  }
0x87: {  	[sflag:s25] =	ssyncset.done $0x0  }
0x88: {  	[sflag:s25] =	ssyncadd.s32 $0xFFFFC000  }
0x89: {  	_ =	swait.ge [sflag:s28], $0x4000  }
0x8a: {  	[sflag:s28] =	ssyncset.done $0x0  }
0x8b: {  	[sflag:s28] =	ssyncadd.s32 $0xFFFFC000  }
0x8c: {  	_ =	swait.ge [sflag:s30], $0x4000  }
0x8d: {  	[sflag:s30] =	ssyncset.done $0x0  }
0x8e: {  	s0 =	sadd.s32 $0x1, s0;
	[sflag:s30] =	ssyncadd.s32 $0xFFFFC000  }
0x8f: {  	p0 =	sne.s32 s0, s10;
	_ =	swait.ge [sflag:s31], $0x4000  }
.Ltmp1:
0x90: {  	[sflag:s31] =	ssyncset.done $0x0;
	(pc) =	sbr.rel @p0 .LBB2_1-.Ltmp1, $4  }
0x91: {  	[sflag:s31] =	ssyncadd.s32 $0xFFFFC000  }
0x92: {  	_ =	swait.ge [sflag:s1], $0x4000  }
0x93: {  	[sflag:s1] =	ssyncset.done $0x0  }
0x94: {  	[sflag:s1] =	ssyncadd.s32 $0xFFFFC000  }
0x95: {  	_ =	sfence.sel $0x180000  }
0x96: {  	[bflag:$0x0] =	sbarrier.arrive $0xFFFF  }
0x97: {  	_ =	strace $0x90000047  }
0x98: {  	s0 =	stileid.u32;
	[bflag:$0x2] =	sbarrier.arrive $0xFFFF  }
0x99: {  	p0 =	sne.s32 s0, $0x0;
	s0 =	rddreg [dreg:$0x3]  }
0x9a: {  	s0 =	sadd.s32 @!p0 $0x100000, s0  }
0x9b: {  	[sflag:s0] =	ssyncadd.tile.s32 @!p0 $0x1;
	_ =	shalt  }
.Lfunc_end2:
_tile_overlayer_lowered:
.L_overlay_start_2:
0x9c: {  	(tag) =	ssettag $0x2  }
0x9d: {  	s0 =	rddreg [dreg:$0x0];
	s2 =	stileid.u32  }
0x9e: {  	s1 =	rddreg [dreg:$0x1];
	p0 =	sne.s32 s2, $0x0  }
0x9f: {  	s3 =	rddreg [dreg:$0x2];
	[bflag:$0x3] =	sbarrier.arrive $0xFFFF;
	s2 =	simm.s32 @!p0 $0x1C0B  }
0xa0: {  	[timem:s3], [sflag:s2] =	dma.local @!p0 [hbm:s0], s1  }
0xa1: {  	s0 =	simm.s32 @!p0 $0xB  }
0xa2: {  	_ =	swait.ge @!p0 [sflag:s0], s1  }
0xa3: {  	s1 =	ssub.s32 @!p0 $0x0, s1;
	[sflag:s0] =	ssyncset.done @!p0 $0x0  }
0xa4: {  	[sflag:s0] =	ssyncadd.s32 @!p0 s1  }
0xa5: {  	[bflag:$0x3] =	sbarrier.arrive $0xFFFF  }
0xa6: {  	_ =	shalt  }

</sc_bundles>
